<compile_context>
chip_gen: v7x
topology: tpu7x:2x2x1
jax: 0.10.2.dev20260603
libtpu: 0.0.44.dev20260713+nightly
codegen_flags: <defaults>
</compile_context>

<pallas_src>
import jax
import jax.numpy as jnp
from jax import lax
from jax.experimental import pallas as pl
from jax.experimental.pallas import tpu as pltpu
from jax.experimental.pallas import tpu_sc as plsc

M_ITEM = 1000000
DIM = 16
N_GRAD = 16384
LR = 0.01

NW = 32
UT = 128
U_PER_TILE = 244
ICH = 512
NMAIN = U_PER_TILE * UT // ICH
I_MAIN = NMAIN * ICH
TAIL_START = 999936
NSLOT = 3
CAP = 3072
GB = 128
SCAN_IT = N_GRAD // 16


def _body(w_hbm, g_hbm, it_hbm, out_hbm,
          items_v, posm_v, idxm_v, updm_v, posc_v, gidx_v, gbuf_v, buf,
          xbuf, xbuf2, sem_in, sem_out, sem_g):
    wid = lax.axis_index("s") * 2 + lax.axis_index("c")
    ibase = (wid * U_PER_TILE + jnp.minimum(wid, 4)) * UT
    n_main = I_MAIN + jnp.where(wid < 4, UT, 0)

    def chunk_src(c):
        return w_hbm.at[:, pl.ds(ibase + c * ICH, ICH)]

    def chunk_dst(c):
        return out_hbm.at[:, pl.ds(ibase + c * ICH, ICH)]

    pltpu.async_copy(chunk_src(0), buf.at[0], sem_in.at[0])
    pltpu.async_copy(chunk_src(1), buf.at[1], sem_in.at[1])

    pltpu.sync_copy(it_hbm, items_v)

    def zero_body(i, _):
        gidx_v[pl.ds(i * 16, 16)] = jnp.zeros((16,), jnp.int32)
        return 0
    lax.fori_loop(0, (CAP + GB) // 16, zero_body, 0)

    lanes = lax.iota(jnp.int32, 16)

    def scan_body(i, cnt):
        v = items_v[pl.ds(i * 16, 16)]
        in_main = (v >= ibase) & (v < ibase + n_main)
        in_tail = (v >= TAIL_START) & (wid == 4)
        msk = in_main | in_tail
        lv = jnp.where(in_tail, I_MAIN + (v - TAIL_START), v - ibase)
        off = jnp.minimum(cnt, CAP)
        pf = plsc.cumsum(jnp.where(msk, jnp.int32(1), jnp.int32(0)))
        dst = off + pf - 1
        pos = lanes + i * 16
        plsc.store_scatter(posm_v, [dst], pos, mask=msk)
        plsc.store_scatter(idxm_v, [dst], lv, mask=msk)
        plsc.store_scatter(gidx_v, [dst], pos >> 3, mask=msk)
        return cnt + pf[15]
    cnt = lax.fori_loop(0, SCAN_IT, scan_body, jnp.int32(0))
    cnt = jnp.minimum(cnt, CAP)

    nb = (cnt + (GB - 1)) // GB

    def gather_body(bi, _):
        pltpu.async_copy(g_hbm.at[gidx_v.at[pl.ds(bi * GB, GB)]], gbuf_v,
                         sem_g).wait()

        def compact(r, _):
            p = posm_v[pl.ds(bi * GB + r, 16)][0]
            sub = (p & 7) * DIM
            updm_v[pl.ds((bi * GB + r) * DIM, 16)] = gbuf_v[r, pl.ds(sub, 16)]
            return 0
        lax.fori_loop(0, GB, compact, 0)
        return 0
    lax.fori_loop(0, nb, gather_body, 0)

    magic = jnp.int32(0x5F3759DF)

    def clip_body(j, _):
        row = updm_v[pl.ds(j * DIM, 16)]
        ssq = jnp.sum(row * row)
        x = jnp.maximum(lax.broadcast_in_dim(ssq, (16,), ()),
                        jnp.float32(1e-24))
        y = plsc.bitcast(magic - (plsc.bitcast(x, jnp.int32) >> 1),
                         jnp.float32)
        y = y * (1.5 - 0.5 * x * y * y)
        y = y * (1.5 - 0.5 * x * y * y)
        y = y * (1.5 - 0.5 * x * y * y)
        scale = jnp.minimum(jnp.float32(1.0), y) * jnp.float32(-LR)
        updm_v[pl.ds(j * DIM, 16)] = row * scale
        return 0
    lax.fori_loop(0, cnt, clip_body, 0)

    nscan16 = (cnt + 15) // 16

    def build_sublist(lo, hi):
        def sub_body(t, k):
            lv = idxm_v[pl.ds(t * 16, 16)]
            jv = lanes + t * 16
            msk = (lv >= lo) & (lv < hi) & (jv < cnt)
            pf = plsc.cumsum(jnp.where(msk, jnp.int32(1), jnp.int32(0)))
            plsc.store_scatter(posc_v, [k + pf - 1], jv, mask=msk)
            return k + pf[15]
        return lax.fori_loop(0, nscan16, sub_body, jnp.int32(0))

    def apply_sublist(nmatch, lo, dst_ref):
        def app_body(j, _):
            p = posc_v[pl.ds(j, 16)][0]
            il = idxm_v[pl.ds(p, 16)][0] - lo
            ilv = lax.broadcast_in_dim(il, (16,), ())
            plsc.addupdate_scatter(dst_ref, [lanes, ilv],
                                   updm_v[pl.ds(p * DIM, 16)])
            return 0
        lax.fori_loop(0, nmatch, app_body, 0)

    def chunk_body(c, _):
        b = lax.rem(c, NSLOT)
        pltpu.make_async_copy(chunk_src(c), buf.at[b], sem_in.at[b]).wait()
        nmatch = build_sublist(c * ICH, (c + 1) * ICH)
        apply_sublist(nmatch, c * ICH, buf.at[b])
        pltpu.async_copy(buf.at[b], chunk_dst(c), sem_out.at[b])

        @pl.when(c >= 1)
        def _():
            bp = lax.rem(c - 1, NSLOT)
            pltpu.make_async_copy(buf.at[bp], chunk_dst(c - 1), sem_out.at[bp]).wait()

        @pl.when(c + 2 < NMAIN)
        def _():
            bn = lax.rem(c + 2, NSLOT)
            pltpu.async_copy(chunk_src(c + 2), buf.at[bn], sem_in.at[bn])
        return 0
    lax.fori_loop(0, NMAIN, chunk_body, 0)

    pltpu.make_async_copy(buf.at[(NMAIN - 1) % NSLOT], chunk_dst(NMAIN - 1),
                          sem_out.at[(NMAIN - 1) % NSLOT]).wait()

    @pl.when(wid < 4)
    def _():
        xs = pl.ds(ibase + I_MAIN, UT)
        pltpu.sync_copy(w_hbm.at[:, xs], xbuf)
        nmatch = build_sublist(I_MAIN, I_MAIN + UT)
        apply_sublist(nmatch, I_MAIN, xbuf)
        pltpu.sync_copy(xbuf, out_hbm.at[:, xs])

    @pl.when(wid == 4)
    def _():
        xs = pl.ds(TAIL_START, 64)
        pltpu.sync_copy(w_hbm.at[:, xs], xbuf2)
        nmatch = build_sublist(I_MAIN, I_MAIN + 64)
        apply_sublist(nmatch, I_MAIN, xbuf2)
        pltpu.sync_copy(xbuf2, out_hbm.at[:, xs])


def kernel(items_emb_weight, items_emb_grad, items):
    run = pl.kernel(
        _body,
        out_type=jax.ShapeDtypeStruct((DIM, M_ITEM), jnp.float32),
        mesh=plsc.VectorSubcoreMesh(core_axis_name="c", subcore_axis_name="s"),
        compiler_params=pltpu.CompilerParams(use_tc_tiling_on_sc=True,
                                             needs_layout_passes=False),
        scratch_types=[
            pltpu.VMEM((N_GRAD,), jnp.int32),
            pltpu.VMEM((CAP + 16,), jnp.int32),
            pltpu.VMEM((CAP + 16,), jnp.int32),
            pltpu.VMEM((CAP * DIM,), jnp.float32),
            pltpu.VMEM((CAP + 16,), jnp.int32),
            pltpu.VMEM((CAP + GB,), jnp.int32),
            pltpu.VMEM((GB, 128), jnp.float32),
            pltpu.VMEM((NSLOT, DIM, ICH), jnp.float32),
            pltpu.VMEM((DIM, UT), jnp.float32),
            pltpu.VMEM((DIM, 64), jnp.float32),
            pltpu.SemaphoreType.DMA((NSLOT,)),
            pltpu.SemaphoreType.DMA((NSLOT,)),
            pltpu.SemaphoreType.DMA,
        ],
    )
    out = run(items_emb_weight.T,
              items_emb_grad.reshape(N_GRAD // 8, 8 * DIM),
              items.astype(jnp.int32))
    return out.T

# --- scband reference (transcript-rebuilt; emitter-appended) ---
"""Pipeline reference for scband-fed-rec-server-87969520156793 (READ-ONLY COPY).

The authoritative reference and input builder live on the scoring server;
editing this copy changes nothing except your own understanding.
"""

import jax, jax.numpy as jnp
import numpy as np

M_ITEM = 1000000
DIM = 16
N = 16384
GRAD_LIMIT = 1.0
LR = 0.01


def setup_inputs(seed: int = 0) -> dict:
    key = jax.random.key(seed)
    k1, k2, k3 = jax.random.split(key, 3)
    items_emb_weight = jax.random.normal(k1, (M_ITEM, DIM), dtype=jnp.float32) * 0.01
    items_emb_grad = jax.random.normal(k2, (N, DIM), dtype=jnp.float32)
    items = jax.random.randint(k3, (N,), 0, M_ITEM, dtype=jnp.int64 if jax.config.jax_enable_x64 else jnp.int32)
    return {"items_emb_weight": items_emb_weight, "items_emb_grad": items_emb_grad, "items": items}


def reference(items_emb_weight, items_emb_grad, items):
    # Faithful translation of FedRecServer.train_ core:
    # 1) per-row L2 norm clip of client item-embedding gradients
    # 2) scatter-add clipped gradients into a dense table-shaped accumulator
    # 3) SGD update of the item embedding table
    norm = jnp.linalg.norm(items_emb_grad, ord=2, axis=-1, keepdims=True)
    safe_norm = jnp.maximum(norm, 1e-12)
    scale = jnp.minimum(jnp.float32(1.0), GRAD_LIMIT / safe_norm)
    clipped = items_emb_grad * scale
    batch_items_emb_grad = jnp.zeros_like(items_emb_weight).at[items].add(clipped)
    new_weight = items_emb_weight - LR * batch_items_emb_grad
    return new_weight

if __name__ == "__main__":
    import jax
    _d = setup_inputs()
    print(jax.jit(kernel)(*tuple(_d.values())))

</pallas_src>

<mosaic_0001>
#map = affine_map<(d0, d1) -> (0, 0)>
#map1 = affine_map<(d0, d1) -> (0)>
module attributes {stable_mosaic.version = 14 : i64} {
  func.func @_body(%arg0: i32, %arg1: i32, %arg2: memref<16x1000000xf32, #tpu.memory_space<hbm>>, %arg3: memref<2048x128xf32, #tpu.memory_space<hbm>>, %arg4: memref<16384xi32, #tpu.memory_space<hbm>>, %arg5: memref<16x1000000xf32, #tpu.memory_space<hbm>>, %arg6: memref<16384xi32, #tpu.memory_space<vmem>>, %arg7: memref<3088xi32, #tpu.memory_space<vmem>>, %arg8: memref<3088xi32, #tpu.memory_space<vmem>>, %arg9: memref<49152xf32, #tpu.memory_space<vmem>>, %arg10: memref<3088xi32, #tpu.memory_space<vmem>>, %arg11: memref<3200xi32, #tpu.memory_space<vmem>>, %arg12: memref<128x128xf32, #tpu.memory_space<vmem>>, %arg13: memref<3x16x512xf32, #tpu.memory_space<vmem>>, %arg14: memref<16x128xf32, #tpu.memory_space<vmem>>, %arg15: memref<16x64xf32, #tpu.memory_space<vmem>>, %arg16: memref<3x!tpu.dma_semaphore, #tpu.memory_space<semaphore_mem>>, %arg17: memref<3x!tpu.dma_semaphore, #tpu.memory_space<semaphore_mem>>, %arg18: memref<!tpu.dma_semaphore, #tpu.memory_space<semaphore_mem>>) attributes {dimension_semantics = [#tpu.dimension_semantics<core_parallel>, #tpu.dimension_semantics<subcore_parallel>], iteration_bounds = array<i64: 2, 16>, scalar_prefetch = 0 : i64, scratch_operands = 13 : i64, tpu.core_type = #tpu.core_type<sc_vector_subcore>, window_params = [{transform_indices = #map}, {transform_indices = #map}, {transform_indices = #map1}, {transform_indices = #map}]} {
    %mul3A = arith.constant 2 : i32
    %mul3A_0 = arith.muli %arg1, %mul3A : i32
    %add3A = arith.addi %mul3A_0, %arg0 : i32
    %mul3A_1 = arith.constant 244 : i32
    %mul3A_2 = arith.muli %add3A, %mul3A_1 : i32
    %min3A = arith.constant 4 : i32
    %min3A_3 = arith.minsi %add3A, %min3A : i32
    %add3A_4 = arith.addi %mul3A_2, %min3A_3 : i32
    %mul3A_5 = arith.constant 128 : i32
    %mul3A_6 = arith.muli %add3A_4, %mul3A_5 : i32
    %lt3A = arith.constant 4 : i32
    %lt3A_7 = arith.cmpi slt, %add3A, %lt3A : i32
    %jit3A = arith.constant 128 : i32
    %jit3A_8 = arith.constant 0 : i32
    %select_n3A = arith.select %lt3A_7, %jit3A, %jit3A_8 : i32
    %add3A_9 = arith.constant 31232 : i32
    %add3A_10 = arith.addi %add3A_9, %select_n3A : i32
    %add3A_11 = arith.constant 0 : i32
    %add3A_12 = arith.addi %mul3A_6, %add3A_11 : i32
    %dma_start3A = arith.constant 0 : i32
    %dma_start3A_13 = arith.constant 0 : i32
    %dma_start3A_14 = arith.constant 0 : i32
    %dma_start3A_15 = arith.constant 0 : i32
    %dma_start3A_16 = tpu.memref_slice %arg13[%dma_start3A, %dma_start3A_14, %dma_start3A_15] : memref<3x16x512xf32, #tpu.memory_space<vmem>> -> memref<1x16x512xf32, #tpu.memory_space<vmem>>
    %dma_start3A_17 = tpu.memref_squeeze %dma_start3A_16 : memref<1x16x512xf32, #tpu.memory_space<vmem>> -> memref<16x512xf32, #tpu.memory_space<vmem>>
    %dma_start3A_18 = arith.constant 0 : i32
    %dma_start3A_19 = tpu.memref_slice %arg2[%dma_start3A_18, %add3A_12] : memref<16x1000000xf32, #tpu.memory_space<hbm>> -> memref<16x512xf32, #tpu.memory_space<hbm>>
    %dma_start3A_20 = tpu.memref_slice %arg16[%dma_start3A_13] : memref<3x!tpu.dma_semaphore, #tpu.memory_space<semaphore_mem>> -> memref<1x!tpu.dma_semaphore, #tpu.memory_space<semaphore_mem>>
    %dma_start3A_21 = tpu.memref_squeeze %dma_start3A_20 : memref<1x!tpu.dma_semaphore, #tpu.memory_space<semaphore_mem>> -> memref<!tpu.dma_semaphore, #tpu.memory_space<semaphore_mem>>
    %dma_start3A_22 = arith.constant 0 : i32
    %dma_start3A_23 = arith.constant 0 : i32
    %dma_start3A_24 = tpu.memref_slice %arg13[%dma_start3A, %dma_start3A_22, %dma_start3A_23] : memref<3x16x512xf32, #tpu.memory_space<vmem>> -> memref<1x16x512xf32, #tpu.memory_space<vmem>>
    %dma_start3A_25 = tpu.memref_squeeze %dma_start3A_24 : memref<1x16x512xf32, #tpu.memory_space<vmem>> -> memref<16x512xf32, #tpu.memory_space<vmem>>
    %dma_start3A_26 = arith.constant 0 : i32
    %dma_start3A_27 = tpu.memref_slice %arg2[%dma_start3A_26, %add3A_12] : memref<16x1000000xf32, #tpu.memory_space<hbm>> -> memref<16x512xf32, #tpu.memory_space<hbm>>
    tpu.enqueue_dma source(%dma_start3A_27 : memref<16x512xf32, #tpu.memory_space<hbm>>) target(%dma_start3A_25 : memref<16x512xf32, #tpu.memory_space<vmem>>) target_semaphore(%dma_start3A_21 : memref<!tpu.dma_semaphore, #tpu.memory_space<semaphore_mem>>)
    %add3A_28 = arith.constant 512 : i32
    %add3A_29 = arith.addi %mul3A_6, %add3A_28 : i32
    %dma_start3A_30 = arith.constant 1 : i32
    %dma_start3A_31 = arith.constant 1 : i32
    %dma_start3A_32 = arith.constant 0 : i32
    %dma_start3A_33 = arith.constant 0 : i32
    %dma_start3A_34 = tpu.memref_slice %arg13[%dma_start3A_30, %dma_start3A_32, %dma_start3A_33] : memref<3x16x512xf32, #tpu.memory_space<vmem>> -> memref<1x16x512xf32, #tpu.memory_space<vmem>>
    %dma_start3A_35 = tpu.memref_squeeze %dma_start3A_34 : memref<1x16x512xf32, #tpu.memory_space<vmem>> -> memref<16x512xf32, #tpu.memory_space<vmem>>
    %dma_start3A_36 = arith.constant 0 : i32
    %dma_start3A_37 = tpu.memref_slice %arg2[%dma_start3A_36, %add3A_29] : memref<16x1000000xf32, #tpu.memory_space<hbm>> -> memref<16x512xf32, #tpu.memory_space<hbm>>
    %dma_start3A_38 = tpu.memref_slice %arg16[%dma_start3A_31] : memref<3x!tpu.dma_semaphore, #tpu.memory_space<semaphore_mem>> -> memref<1x!tpu.dma_semaphore, #tpu.memory_space<semaphore_mem>>
    %dma_start3A_39 = tpu.memref_squeeze %dma_start3A_38 : memref<1x!tpu.dma_semaphore, #tpu.memory_space<semaphore_mem>> -> memref<!tpu.dma_semaphore, #tpu.memory_space<semaphore_mem>>
    %dma_start3A_40 = arith.constant 0 : i32
    %dma_start3A_41 = arith.constant 0 : i32
    %dma_start3A_42 = tpu.memref_slice %arg13[%dma_start3A_30, %dma_start3A_40, %dma_start3A_41] : memref<3x16x512xf32, #tpu.memory_space<vmem>> -> memref<1x16x512xf32, #tpu.memory_space<vmem>>
    %dma_start3A_43 = tpu.memref_squeeze %dma_start3A_42 : memref<1x16x512xf32, #tpu.memory_space<vmem>> -> memref<16x512xf32, #tpu.memory_space<vmem>>
    %dma_start3A_44 = arith.constant 0 : i32
    %dma_start3A_45 = tpu.memref_slice %arg2[%dma_start3A_44, %add3A_29] : memref<16x1000000xf32, #tpu.memory_space<hbm>> -> memref<16x512xf32, #tpu.memory_space<hbm>>
    tpu.enqueue_dma source(%dma_start3A_45 : memref<16x512xf32, #tpu.memory_space<hbm>>) target(%dma_start3A_43 : memref<16x512xf32, #tpu.memory_space<vmem>>) target_semaphore(%dma_start3A_39 : memref<!tpu.dma_semaphore, #tpu.memory_space<semaphore_mem>>)
    "tpu.region"() ({
      %run_scoped3A = tpu.sem_alloc : memref<!tpu.dma_semaphore, #tpu.memory_space<semaphore_mem>>
      tpu.enqueue_dma source(%arg4 : memref<16384xi32, #tpu.memory_space<hbm>>) target(%arg6 : memref<16384xi32, #tpu.memory_space<vmem>>) target_semaphore(%run_scoped3A : memref<!tpu.dma_semaphore, #tpu.memory_space<semaphore_mem>>)
      tpu.wait_dma2 semaphore(%run_scoped3A : memref<!tpu.dma_semaphore, #tpu.memory_space<semaphore_mem>>) src(%arg4 : memref<16384xi32, #tpu.memory_space<hbm>>) dst(%arg6 : memref<16384xi32, #tpu.memory_space<vmem>>)
      tpu.yield
    }) : () -> ()
    %scan3A = arith.constant 0 : i32
    %scan3A_46 = arith.constant 0 : i32
    %scan3A_47 = arith.constant 200 : i32
    %scan3A_48 = arith.addi %scan3A_46, %scan3A_47 : i32
    %scan3A_49 = arith.constant 1 : i32
    %scan3A_50 = scf.for %scan3A_162 = %scan3A_46 to %scan3A_48 step %scan3A_49 iter_args(%scan3A_163 = %scan3A) -> (i32)  : i32 {
      %broadcast_in_dim3A = arith.constant 0 : i32
      %broadcast_in_dim3A_164 = vector.broadcast %broadcast_in_dim3A : i32 to vector<16xi32>
      %mul3A_165 = arith.constant 16 : i32
      %mul3A_166 = arith.muli %scan3A_162, %mul3A_165 : i32
      %swap3A = arith.index_cast %mul3A_166 : i32 to index
      %swap3A_167 = tpu.vector_load %arg11[%swap3A] {strides = array<i32>} : memref<3200xi32, #tpu.memory_space<vmem>>, vector<16xi32>,
      tpu.vector_store %arg11[%swap3A], %broadcast_in_dim3A_164 {strides = array<i32>} : memref<3200xi32, #tpu.memory_space<vmem>>, vector<16xi32>,
      %scan3A_168 = arith.constant 0 : i32
      scf.yield %scan3A_168 : i32
    }
    %scan3A_51 = arith.constant 200 : i32
    %iota3A = tpu.iota {dimensions = array<i32: 0>} : vector<16xi32>
    %scan3A_52 = arith.constant 0 : i32
    %scan3A_53 = arith.constant 0 : i32
    %scan3A_54 = arith.constant 1024 : i32
    %scan3A_55 = arith.addi %scan3A_53, %scan3A_54 : i32
    %scan3A_56 = arith.constant 1 : i32
    %scan3A_57 = scf.for %scan3A_162 = %scan3A_53 to %scan3A_55 step %scan3A_56 iter_args(%scan3A_163 = %scan3A_52) -> (i32)  : i32 {
      %mul3A_164 = arith.constant 16 : i32
      %mul3A_165 = arith.muli %scan3A_162, %mul3A_164 : i32
      %get3A = arith.index_cast %mul3A_165 : i32 to index
      %get3A_166 = tpu.vector_load %arg6[%get3A] {strides = array<i32>} : memref<16384xi32, #tpu.memory_space<vmem>>, vector<16xi32>,
      %ge3A = vector.broadcast %mul3A_6 : i32 to vector<16xi32>
      %ge3A_167 = arith.cmpi sge, %get3A_166, %ge3A : vector<16xi32>
      %add3A_168 = arith.addi %mul3A_6, %add3A_10 : i32
      %lt3A_169 = vector.broadcast %add3A_168 : i32 to vector<16xi32>
      %lt3A_170 = arith.cmpi slt, %get3A_166, %lt3A_169 : vector<16xi32>
      %and3A_171 = arith.andi %ge3A_167, %lt3A_170 : vector<16xi1>
      %ge3A_172 = arith.constant 999936 : i32
      %ge3A_173 = vector.broadcast %ge3A_172 : i32 to vector<16xi32>
      %ge3A_174 = arith.cmpi sge, %get3A_166, %ge3A_173 : vector<16xi32>
      %eq3A_175 = arith.constant 4 : i32
      %eq3A_176 = arith.cmpi eq, %add3A, %eq3A_175 : i32
      %and3A_177 = vector.broadcast %eq3A_176 : i1 to vector<16xi1>
      %and3A_178 = arith.andi %ge3A_174, %and3A_177 : vector<16xi1>
      %or3A = arith.ori %and3A_171, %and3A_178 : vector<16xi1>
      %sub3A_179 = arith.constant 999936 : i32
      %sub3A_180 = vector.broadcast %sub3A_179 : i32 to vector<16xi32>
      %sub3A_181 = arith.subi %get3A_166, %sub3A_180 : vector<16xi32>
      %add3A_182 = arith.constant 31232 : i32
      %add3A_183 = vector.broadcast %add3A_182 : i32 to vector<16xi32>
      %add3A_184 = arith.addi %add3A_183, %sub3A_181 : vector<16xi32>
      %sub3A_185 = vector.broadcast %mul3A_6 : i32 to vector<16xi32>
      %sub3A_186 = arith.subi %get3A_166, %sub3A_185 : vector<16xi32>
      %select_n3A_187 = arith.select %and3A_178, %add3A_184, %sub3A_186 : vector<16xi1>, vector<16xi32>
      %min3A_188 = arith.constant 3072 : i32
      %min3A_189 = arith.minsi %scan3A_163, %min3A_188 : i32
      %jit3A_190 = arith.constant 1 : i32
      %jit3A_191 = arith.constant 0 : i32
      %broadcast_in_dim3A = vector.broadcast %jit3A_190 : i32 to vector<16xi32>
      %broadcast_in_dim3A_192 = vector.broadcast %jit3A_191 : i32 to vector<16xi32>
      %select_n3A_193 = arith.select %or3A, %broadcast_in_dim3A, %broadcast_in_dim3A_192 : vector<16xi1>, vector<16xi32>
      %broadcast_in_dim3A_194 = arith.constant true
      %broadcast_in_dim3A_195 = vector.broadcast %broadcast_in_dim3A_194 : i1 to vector<16xi1>
      %masked_cumsum3A = tpu.scan <sum>, %select_n3A_193 masked %broadcast_in_dim3A_195 : vector<16xi32>, vector<16xi1> -> vector<16xi32>
      %add3A_196 = vector.broadcast %min3A_189 : i32 to vector<16xi32>
      %add3A_197 = arith.addi %add3A_196, %masked_cumsum3A : vector<16xi32>
      %sub3A_198 = arith.constant 1 : i32
      %sub3A_199 = vector.broadcast %sub3A_198 : i32 to vector<16xi32>
      %sub3A_200 = arith.subi %add3A_197, %sub3A_199 : vector<16xi32>
      %mul3A_201 = arith.constant 16 : i32
      %mul3A_202 = arith.muli %scan3A_162, %mul3A_201 : i32
      %add3A_203 = vector.broadcast %mul3A_202 : i32 to vector<16xi32>
      %add3A_204 = arith.addi %iota3A, %add3A_203 : vector<16xi32>
      tpu.vector_store_idx %arg7[%sub3A_200], %add3A_204 masked %or3A : memref<3088xi32, #tpu.memory_space<vmem>>[vector<16xi32>], vector<16xi32>, vector<16xi1>
      tpu.vector_store_idx %arg8[%sub3A_200], %select_n3A_187 masked %or3A : memref<3088xi32, #tpu.memory_space<vmem>>[vector<16xi32>], vector<16xi32>, vector<16xi1>
      %shift_right_arithmetic3A = arith.constant 3 : i32
      %shift_right_arithmetic3A_205 = vector.broadcast %shift_right_arithmetic3A : i32 to vector<16xi32>
      %shift_right_arithmetic3A_206 = arith.shrsi %add3A_204, %shift_right_arithmetic3A_205 : vector<16xi32>
      tpu.vector_store_idx %arg11[%sub3A_200], %shift_right_arithmetic3A_206 masked %or3A : memref<3200xi32, #tpu.memory_space<vmem>>[vector<16xi32>], vector<16xi32>, vector<16xi1>
      %slice3A = vector.extract_strided_slice %masked_cumsum3A {offsets = [15], sizes = [1], strides = [1]} : vector<16xi32> to vector<1xi32>
      %squeeze3A = vector.extract %slice3A[0] : i32 from vector<1xi32>
      %add3A_207 = arith.addi %scan3A_163, %squeeze3A : i32
      scf.yield %add3A_207 : i32
    }
    %scan3A_58 = arith.constant 1024 : i32
    %min3A_59 = arith.constant 3072 : i32
    %min3A_60 = arith.minsi %scan3A_57, %min3A_59 : i32
    %add3A_61 = arith.constant 127 : i32
    %add3A_62 = arith.addi %min3A_60, %add3A_61 : i32
    %jit3A_63 = arith.constant 128 : i32
    %div3A = arith.divsi %add3A_62, %jit3A_63 : i32
    %sign3A = arith.constant 0 : i32
    %sign3A_64 = arith.cmpi sgt, %add3A_62, %sign3A : i32
    %sign3A_65 = arith.extui %sign3A_64 : i1 to i32
    %sign3A_66 = arith.constant 0 : i32
    %sign3A_67 = arith.cmpi slt, %add3A_62, %sign3A_66 : i32
    %sign3A_68 = arith.extui %sign3A_67 : i1 to i32
    %sign3A_69 = arith.subi %sign3A_65, %sign3A_68 : i32
    %sign3A_70 = arith.constant 0 : i32
    %sign3A_71 = arith.cmpi sgt, %jit3A_63, %sign3A_70 : i32
    %sign3A_72 = arith.extui %sign3A_71 : i1 to i32
    %sign3A_73 = arith.constant 0 : i32
    %sign3A_74 = arith.cmpi slt, %jit3A_63, %sign3A_73 : i32
    %sign3A_75 = arith.extui %sign3A_74 : i1 to i32
    %sign3A_76 = arith.subi %sign3A_72, %sign3A_75 : i32
    %ne3A = arith.cmpi ne, %sign3A_69, %sign3A_76 : i32
    %rem3A = arith.remsi %add3A_62, %jit3A_63 : i32
    %ne3A_77 = arith.constant 0 : i32
    %ne3A_78 = arith.cmpi ne, %rem3A, %ne3A_77 : i32
    %and3A = arith.andi %ne3A, %ne3A_78 : i1
    %sub3A = arith.constant 1 : i32
    %sub3A_79 = arith.subi %div3A, %sub3A : i32
    %select_n3A_80 = arith.select %and3A, %sub3A_79, %div3A : i32
    %while3A = arith.constant 0 : i32
    %while3A_81 = arith.constant 0 : i32
    %while3A_82 = arith.subi %select_n3A_80, %while3A : i32
    %while3A_83 = arith.addi %while3A, %while3A_82 : i32
    %while3A_84 = arith.constant 1 : i32
    %while3A_85 = arith.divsi %while3A_82, %while3A_84 : i32
    %while3A_86 = arith.muli %while3A_85, %while3A_84 : i32
    %while3A_87 = arith.addi %while3A, %while3A_86 : i32
    %while3A_88 = arith.constant 1 : i32
    %while3A_89 = scf.for %while3A_162 = %while3A to %while3A_87 step %while3A_88 iter_args(%while3A_163 = %while3A_81) -> (i32)  : i32 {
      %mul3A_164 = arith.constant 128 : i32
      %mul3A_165 = arith.muli %while3A_162, %mul3A_164 : i32
      %dma_start3A_166 = tpu.memref_slice %arg11[%mul3A_165] : memref<3200xi32, #tpu.memory_space<vmem>> -> memref<128xi32, #tpu.memory_space<vmem>>
      %dma_start3A_167 = arith.constant 0 : i32
      %dma_start3A_168 = arith.constant 0 : i32
      %dma_start3A_169 = tpu.memref_slice %arg3[%dma_start3A_167, %dma_start3A_168] : memref<2048x128xf32, #tpu.memory_space<hbm>> -> memref<2048x128xf32, #tpu.memory_space<hbm>>
      tpu.enqueue_indirect_dma source(%dma_start3A_169 : memref<2048x128xf32, #tpu.memory_space<hbm>>) target(%arg12 : memref<128x128xf32, #tpu.memory_space<vmem>>) offsets(%dma_start3A_166 : memref<128xi32, #tpu.memory_space<vmem>>) semaphore(%arg18 : memref<!tpu.dma_semaphore, #tpu.memory_space<semaphore_mem>>)
      %dma_wait3A_170 = tpu.memref_slice %arg11[%mul3A_165] : memref<3200xi32, #tpu.memory_space<vmem>> -> memref<128xi32, #tpu.memory_space<vmem>>
      %dma_wait3A_171 = arith.constant 0 : i32
      %dma_wait3A_172 = arith.constant 0 : i32
      %dma_wait3A_173 = tpu.memref_slice %arg3[%dma_wait3A_171, %dma_wait3A_172] : memref<2048x128xf32, #tpu.memory_space<hbm>> -> memref<2048x128xf32, #tpu.memory_space<hbm>>
      tpu.wait_indirect_dma semaphore(%arg18 : memref<!tpu.dma_semaphore, #tpu.memory_space<semaphore_mem>>) src(%dma_wait3A_173 : memref<2048x128xf32, #tpu.memory_space<hbm>>) dst(%arg12 : memref<128x128xf32, #tpu.memory_space<vmem>>)
      %scan3A_174 = arith.constant 0 : i32
      %scan3A_175 = arith.constant 0 : i32
      %scan3A_176 = arith.constant 128 : i32
      %scan3A_177 = arith.addi %scan3A_175, %scan3A_176 : i32
      %scan3A_178 = arith.constant 1 : i32
      %scan3A_179 = scf.for %scan3A_182 = %scan3A_175 to %scan3A_177 step %scan3A_178 iter_args(%scan3A_183 = %scan3A_174) -> (i32)  : i32 {
        %mul3A_184 = arith.constant 128 : i32
        %mul3A_185 = arith.muli %while3A_162, %mul3A_184 : i32
        %add3A_186 = arith.addi %mul3A_185, %scan3A_182 : i32
        %get3A = arith.index_cast %add3A_186 : i32 to index
        %get3A_187 = tpu.vector_load %arg7[%get3A] {strides = array<i32>} : memref<3088xi32, #tpu.memory_space<vmem>>, vector<16xi32>,
        %slice3A = vector.extract_strided_slice %get3A_187 {offsets = [0], sizes = [1], strides = [1]} : vector<16xi32> to vector<1xi32>
        %squeeze3A = vector.extract %slice3A[0] : i32 from vector<1xi32>
        %and3A_188 = arith.constant 7 : i32
        %and3A_189 = arith.andi %squeeze3A, %and3A_188 : i32
        %mul3A_190 = arith.constant 16 : i32
        %mul3A_191 = arith.muli %and3A_189, %mul3A_190 : i32
        %get3A_192 = arith.index_cast %scan3A_182 : i32 to index
        %get3A_193 = arith.index_cast %mul3A_191 : i32 to index
        %get3A_194 = tpu.vector_load %arg12[%get3A_192, %get3A_193] {strides = array<i32>} : memref<128x128xf32, #tpu.memory_space<vmem>>, vector<16xf32>,
        %mul3A_195 = arith.constant 128 : i32
        %mul3A_196 = arith.muli %while3A_162, %mul3A_195 : i32
        %add3A_197 = arith.addi %mul3A_196, %scan3A_182 : i32
        %mul3A_198 = arith.constant 16 : i32
        %mul3A_199 = arith.muli %add3A_197, %mul3A_198 : i32
        %swap3A = arith.index_cast %mul3A_199 : i32 to index
        %swap3A_200 = tpu.vector_load %arg9[%swap3A] {strides = array<i32>} : memref<49152xf32, #tpu.memory_space<vmem>>, vector<16xf32>,
        tpu.vector_store %arg9[%swap3A], %get3A_194 {strides = array<i32>} : memref<49152xf32, #tpu.memory_space<vmem>>, vector<16xf32>,
        %scan3A_201 = arith.constant 0 : i32
        scf.yield %scan3A_201 : i32
      }
      %scan3A_180 = arith.constant 128 : i32
      %while3A_181 = arith.constant 0 : i32
      scf.yield %while3A_181 : i32
    }
    %while3A_90 = arith.constant 1 : i32
    %while3A_91 = scf.for %while3A_162 = %while3A_87 to %while3A_83 step %while3A_90 iter_args(%while3A_163 = %while3A_89) -> (i32)  : i32 {
      %mul3A_164 = arith.constant 128 : i32
      %mul3A_165 = arith.muli %while3A_162, %mul3A_164 : i32
      %dma_start3A_166 = tpu.memref_slice %arg11[%mul3A_165] : memref<3200xi32, #tpu.memory_space<vmem>> -> memref<128xi32, #tpu.memory_space<vmem>>
      %dma_start3A_167 = arith.constant 0 : i32
      %dma_start3A_168 = arith.constant 0 : i32
      %dma_start3A_169 = tpu.memref_slice %arg3[%dma_start3A_167, %dma_start3A_168] : memref<2048x128xf32, #tpu.memory_space<hbm>> -> memref<2048x128xf32, #tpu.memory_space<hbm>>
      tpu.enqueue_indirect_dma source(%dma_start3A_169 : memref<2048x128xf32, #tpu.memory_space<hbm>>) target(%arg12 : memref<128x128xf32, #tpu.memory_space<vmem>>) offsets(%dma_start3A_166 : memref<128xi32, #tpu.memory_space<vmem>>) semaphore(%arg18 : memref<!tpu.dma_semaphore, #tpu.memory_space<semaphore_mem>>)
      %dma_wait3A_170 = tpu.memref_slice %arg11[%mul3A_165] : memref<3200xi32, #tpu.memory_space<vmem>> -> memref<128xi32, #tpu.memory_space<vmem>>
      %dma_wait3A_171 = arith.constant 0 : i32
      %dma_wait3A_172 = arith.constant 0 : i32
      %dma_wait3A_173 = tpu.memref_slice %arg3[%dma_wait3A_171, %dma_wait3A_172] : memref<2048x128xf32, #tpu.memory_space<hbm>> -> memref<2048x128xf32, #tpu.memory_space<hbm>>
      tpu.wait_indirect_dma semaphore(%arg18 : memref<!tpu.dma_semaphore, #tpu.memory_space<semaphore_mem>>) src(%dma_wait3A_173 : memref<2048x128xf32, #tpu.memory_space<hbm>>) dst(%arg12 : memref<128x128xf32, #tpu.memory_space<vmem>>)
      %scan3A_174 = arith.constant 0 : i32
      %scan3A_175 = arith.constant 0 : i32
      %scan3A_176 = arith.constant 128 : i32
      %scan3A_177 = arith.addi %scan3A_175, %scan3A_176 : i32
      %scan3A_178 = arith.constant 1 : i32
      %scan3A_179 = scf.for %scan3A_182 = %scan3A_175 to %scan3A_177 step %scan3A_178 iter_args(%scan3A_183 = %scan3A_174) -> (i32)  : i32 {
        %mul3A_184 = arith.constant 128 : i32
        %mul3A_185 = arith.muli %while3A_162, %mul3A_184 : i32
        %add3A_186 = arith.addi %mul3A_185, %scan3A_182 : i32
        %get3A = arith.index_cast %add3A_186 : i32 to index
        %get3A_187 = tpu.vector_load %arg7[%get3A] {strides = array<i32>} : memref<3088xi32, #tpu.memory_space<vmem>>, vector<16xi32>,
        %slice3A = vector.extract_strided_slice %get3A_187 {offsets = [0], sizes = [1], strides = [1]} : vector<16xi32> to vector<1xi32>
        %squeeze3A = vector.extract %slice3A[0] : i32 from vector<1xi32>
        %and3A_188 = arith.constant 7 : i32
        %and3A_189 = arith.andi %squeeze3A, %and3A_188 : i32
        %mul3A_190 = arith.constant 16 : i32
        %mul3A_191 = arith.muli %and3A_189, %mul3A_190 : i32
        %get3A_192 = arith.index_cast %scan3A_182 : i32 to index
        %get3A_193 = arith.index_cast %mul3A_191 : i32 to index
        %get3A_194 = tpu.vector_load %arg12[%get3A_192, %get3A_193] {strides = array<i32>} : memref<128x128xf32, #tpu.memory_space<vmem>>, vector<16xf32>,
        %mul3A_195 = arith.constant 128 : i32
        %mul3A_196 = arith.muli %while3A_162, %mul3A_195 : i32
        %add3A_197 = arith.addi %mul3A_196, %scan3A_182 : i32
        %mul3A_198 = arith.constant 16 : i32
        %mul3A_199 = arith.muli %add3A_197, %mul3A_198 : i32
        %swap3A = arith.index_cast %mul3A_199 : i32 to index
        %swap3A_200 = tpu.vector_load %arg9[%swap3A] {strides = array<i32>} : memref<49152xf32, #tpu.memory_space<vmem>>, vector<16xf32>,
        tpu.vector_store %arg9[%swap3A], %get3A_194 {strides = array<i32>} : memref<49152xf32, #tpu.memory_space<vmem>>, vector<16xf32>,
        %scan3A_201 = arith.constant 0 : i32
        scf.yield %scan3A_201 : i32
      }
      %scan3A_180 = arith.constant 128 : i32
      %while3A_181 = arith.constant 0 : i32
      scf.yield %while3A_181 : i32
    }
    %while3A_92 = arith.constant 1597463007 : i32
    %while3A_93 = arith.constant 0 : i32
    %while3A_94 = arith.constant 0 : i32
    %while3A_95 = arith.subi %min3A_60, %while3A_93 : i32
    %while3A_96 = arith.addi %while3A_93, %while3A_95 : i32
    %while3A_97 = arith.constant 1 : i32
    %while3A_98 = arith.divsi %while3A_95, %while3A_97 : i32
    %while3A_99 = arith.muli %while3A_98, %while3A_97 : i32
    %while3A_100 = arith.addi %while3A_93, %while3A_99 : i32
    %while3A_101 = arith.constant 1 : i32
    %while3A_102 = scf.for %while3A_162 = %while3A_93 to %while3A_100 step %while3A_101 iter_args(%while3A_163 = %while3A_94) -> (i32)  : i32 {
      %mul3A_164 = arith.constant 16 : i32
      %mul3A_165 = arith.muli %while3A_162, %mul3A_164 : i32
      %get3A = arith.index_cast %mul3A_165 : i32 to index
      %get3A_166 = tpu.vector_load %arg9[%get3A] {strides = array<i32>} : memref<49152xf32, #tpu.memory_space<vmem>>, vector<16xf32>,
      %mul3A_167 = arith.mulf %get3A_166, %get3A_166 : vector<16xf32>
      %reduce_sum3A = arith.constant true
      %reduce_sum3A_168 = vector.broadcast %reduce_sum3A : i1 to vector<16xi1>
      %reduce_sum3A_169 = tpu.scan <sum>, %mul3A_167 masked %reduce_sum3A_168 : vector<16xf32>, vector<16xi1> -> vector<16xf32>
      %reduce_sum3A_170 = vector.extract %reduce_sum3A_169[15] : f32 from vector<16xf32>
      %broadcast_in_dim3A = vector.broadcast %reduce_sum3A_170 : f32 to vector<16xf32>
      %max3A = arith.constant 1.000000e-24 : f32
      %max3A_171 = vector.broadcast %max3A : f32 to vector<16xf32>
      %max3A_172 = arith.maximumf %broadcast_in_dim3A, %max3A_171 : vector<16xf32>
      %bitcast3A = vector.bitcast %max3A_172 : vector<16xf32> to vector<16xi32>
      %shift_right_arithmetic3A = arith.constant 1 : i32
      %shift_right_arithmetic3A_173 = vector.broadcast %shift_right_arithmetic3A : i32 to vector<16xi32>
      %shift_right_arithmetic3A_174 = arith.shrsi %bitcast3A, %shift_right_arithmetic3A_173 : vector<16xi32>
      %sub3A_175 = vector.broadcast %while3A_92 : i32 to vector<16xi32>
      %sub3A_176 = arith.subi %sub3A_175, %shift_right_arithmetic3A_174 : vector<16xi32>
      %bitcast3A_177 = vector.bitcast %sub3A_176 : vector<16xi32> to vector<16xf32>
      %mul3A_178 = arith.constant 5.000000e-01 : f32
      %mul3A_179 = vector.broadcast %mul3A_178 : f32 to vector<16xf32>
      %mul3A_180 = arith.mulf %mul3A_179, %max3A_172 : vector<16xf32>
      %mul3A_181 = arith.mulf %mul3A_180, %bitcast3A_177 : vector<16xf32>
      %mul3A_182 = arith.mulf %mul3A_181, %bitcast3A_177 : vector<16xf32>
      %sub3A_183 = arith.constant 1.500000e+00 : f32
      %sub3A_184 = vector.broadcast %sub3A_183 : f32 to vector<16xf32>
      %sub3A_185 = arith.subf %sub3A_184, %mul3A_182 : vector<16xf32>
      %mul3A_186 = arith.mulf %bitcast3A_177, %sub3A_185 : vector<16xf32>
      %mul3A_187 = arith.constant 5.000000e-01 : f32
      %mul3A_188 = vector.broadcast %mul3A_187 : f32 to vector<16xf32>
      %mul3A_189 = arith.mulf %mul3A_188, %max3A_172 : vector<16xf32>
      %mul3A_190 = arith.mulf %mul3A_189, %mul3A_186 : vector<16xf32>
      %mul3A_191 = arith.mulf %mul3A_190, %mul3A_186 : vector<16xf32>
      %sub3A_192 = arith.constant 1.500000e+00 : f32
      %sub3A_193 = vector.broadcast %sub3A_192 : f32 to vector<16xf32>
      %sub3A_194 = arith.subf %sub3A_193, %mul3A_191 : vector<16xf32>
      %mul3A_195 = arith.mulf %mul3A_186, %sub3A_194 : vector<16xf32>
      %mul3A_196 = arith.constant 5.000000e-01 : f32
      %mul3A_197 = vector.broadcast %mul3A_196 : f32 to vector<16xf32>
      %mul3A_198 = arith.mulf %mul3A_197, %max3A_172 : vector<16xf32>
      %mul3A_199 = arith.mulf %mul3A_198, %mul3A_195 : vector<16xf32>
      %mul3A_200 = arith.mulf %mul3A_199, %mul3A_195 : vector<16xf32>
      %sub3A_201 = arith.constant 1.500000e+00 : f32
      %sub3A_202 = vector.broadcast %sub3A_201 : f32 to vector<16xf32>
      %sub3A_203 = arith.subf %sub3A_202, %mul3A_200 : vector<16xf32>
      %mul3A_204 = arith.mulf %mul3A_195, %sub3A_203 : vector<16xf32>
      %min3A_205 = arith.constant 1.000000e+00 : f32
      %min3A_206 = vector.broadcast %min3A_205 : f32 to vector<16xf32>
      %min3A_207 = arith.minimumf %min3A_206, %mul3A_204 : vector<16xf32>
      %mul3A_208 = arith.constant -0.00999999977 : f32
      %mul3A_209 = vector.broadcast %mul3A_208 : f32 to vector<16xf32>
      %mul3A_210 = arith.mulf %min3A_207, %mul3A_209 : vector<16xf32>
      %mul3A_211 = arith.mulf %get3A_166, %mul3A_210 : vector<16xf32>
      %mul3A_212 = arith.constant 16 : i32
      %mul3A_213 = arith.muli %while3A_162, %mul3A_212 : i32
      %swap3A = arith.index_cast %mul3A_213 : i32 to index
      %swap3A_214 = tpu.vector_load %arg9[%swap3A] {strides = array<i32>} : memref<49152xf32, #tpu.memory_space<vmem>>, vector<16xf32>,
      tpu.vector_store %arg9[%swap3A], %mul3A_211 {strides = array<i32>} : memref<49152xf32, #tpu.memory_space<vmem>>, vector<16xf32>,
      %while3A_215 = arith.constant 0 : i32
      scf.yield %while3A_215 : i32
    }
    %while3A_103 = arith.constant 1 : i32
    %while3A_104 = scf.for %while3A_162 = %while3A_100 to %while3A_96 step %while3A_103 iter_args(%while3A_163 = %while3A_102) -> (i32)  : i32 {
      %mul3A_164 = arith.constant 16 : i32
      %mul3A_165 = arith.muli %while3A_162, %mul3A_164 : i32
      %get3A = arith.index_cast %mul3A_165 : i32 to index
      %get3A_166 = tpu.vector_load %arg9[%get3A] {strides = array<i32>} : memref<49152xf32, #tpu.memory_space<vmem>>, vector<16xf32>,
      %mul3A_167 = arith.mulf %get3A_166, %get3A_166 : vector<16xf32>
      %reduce_sum3A = arith.constant true
      %reduce_sum3A_168 = vector.broadcast %reduce_sum3A : i1 to vector<16xi1>
      %reduce_sum3A_169 = tpu.scan <sum>, %mul3A_167 masked %reduce_sum3A_168 : vector<16xf32>, vector<16xi1> -> vector<16xf32>
      %reduce_sum3A_170 = vector.extract %reduce_sum3A_169[15] : f32 from vector<16xf32>
      %broadcast_in_dim3A = vector.broadcast %reduce_sum3A_170 : f32 to vector<16xf32>
      %max3A = arith.constant 1.000000e-24 : f32
      %max3A_171 = vector.broadcast %max3A : f32 to vector<16xf32>
      %max3A_172 = arith.maximumf %broadcast_in_dim3A, %max3A_171 : vector<16xf32>
      %bitcast3A = vector.bitcast %max3A_172 : vector<16xf32> to vector<16xi32>
      %shift_right_arithmetic3A = arith.constant 1 : i32
      %shift_right_arithmetic3A_173 = vector.broadcast %shift_right_arithmetic3A : i32 to vector<16xi32>
      %shift_right_arithmetic3A_174 = arith.shrsi %bitcast3A, %shift_right_arithmetic3A_173 : vector<16xi32>
      %sub3A_175 = vector.broadcast %while3A_92 : i32 to vector<16xi32>
      %sub3A_176 = arith.subi %sub3A_175, %shift_right_arithmetic3A_174 : vector<16xi32>
      %bitcast3A_177 = vector.bitcast %sub3A_176 : vector<16xi32> to vector<16xf32>
      %mul3A_178 = arith.constant 5.000000e-01 : f32
      %mul3A_179 = vector.broadcast %mul3A_178 : f32 to vector<16xf32>
      %mul3A_180 = arith.mulf %mul3A_179, %max3A_172 : vector<16xf32>
      %mul3A_181 = arith.mulf %mul3A_180, %bitcast3A_177 : vector<16xf32>
      %mul3A_182 = arith.mulf %mul3A_181, %bitcast3A_177 : vector<16xf32>
      %sub3A_183 = arith.constant 1.500000e+00 : f32
      %sub3A_184 = vector.broadcast %sub3A_183 : f32 to vector<16xf32>
      %sub3A_185 = arith.subf %sub3A_184, %mul3A_182 : vector<16xf32>
      %mul3A_186 = arith.mulf %bitcast3A_177, %sub3A_185 : vector<16xf32>
      %mul3A_187 = arith.constant 5.000000e-01 : f32
      %mul3A_188 = vector.broadcast %mul3A_187 : f32 to vector<16xf32>
      %mul3A_189 = arith.mulf %mul3A_188, %max3A_172 : vector<16xf32>
      %mul3A_190 = arith.mulf %mul3A_189, %mul3A_186 : vector<16xf32>
      %mul3A_191 = arith.mulf %mul3A_190, %mul3A_186 : vector<16xf32>
      %sub3A_192 = arith.constant 1.500000e+00 : f32
      %sub3A_193 = vector.broadcast %sub3A_192 : f32 to vector<16xf32>
      %sub3A_194 = arith.subf %sub3A_193, %mul3A_191 : vector<16xf32>
      %mul3A_195 = arith.mulf %mul3A_186, %sub3A_194 : vector<16xf32>
      %mul3A_196 = arith.constant 5.000000e-01 : f32
      %mul3A_197 = vector.broadcast %mul3A_196 : f32 to vector<16xf32>
      %mul3A_198 = arith.mulf %mul3A_197, %max3A_172 : vector<16xf32>
      %mul3A_199 = arith.mulf %mul3A_198, %mul3A_195 : vector<16xf32>
      %mul3A_200 = arith.mulf %mul3A_199, %mul3A_195 : vector<16xf32>
      %sub3A_201 = arith.constant 1.500000e+00 : f32
      %sub3A_202 = vector.broadcast %sub3A_201 : f32 to vector<16xf32>
      %sub3A_203 = arith.subf %sub3A_202, %mul3A_200 : vector<16xf32>
      %mul3A_204 = arith.mulf %mul3A_195, %sub3A_203 : vector<16xf32>
      %min3A_205 = arith.constant 1.000000e+00 : f32
      %min3A_206 = vector.broadcast %min3A_205 : f32 to vector<16xf32>
      %min3A_207 = arith.minimumf %min3A_206, %mul3A_204 : vector<16xf32>
      %mul3A_208 = arith.constant -0.00999999977 : f32
      %mul3A_209 = vector.broadcast %mul3A_208 : f32 to vector<16xf32>
      %mul3A_210 = arith.mulf %min3A_207, %mul3A_209 : vector<16xf32>
      %mul3A_211 = arith.mulf %get3A_166, %mul3A_210 : vector<16xf32>
      %mul3A_212 = arith.constant 16 : i32
      %mul3A_213 = arith.muli %while3A_162, %mul3A_212 : i32
      %swap3A = arith.index_cast %mul3A_213 : i32 to index
      %swap3A_214 = tpu.vector_load %arg9[%swap3A] {strides = array<i32>} : memref<49152xf32, #tpu.memory_space<vmem>>, vector<16xf32>,
      tpu.vector_store %arg9[%swap3A], %mul3A_211 {strides = array<i32>} : memref<49152xf32, #tpu.memory_space<vmem>>, vector<16xf32>,
      %while3A_215 = arith.constant 0 : i32
      scf.yield %while3A_215 : i32
    }
    %add3A_105 = arith.constant 15 : i32
    %add3A_106 = arith.addi %min3A_60, %add3A_105 : i32
    %jit3A_107 = arith.constant 16 : i32
    %div3A_108 = arith.divsi %add3A_106, %jit3A_107 : i32
    %sign3A_109 = arith.constant 0 : i32
    %sign3A_110 = arith.cmpi sgt, %add3A_106, %sign3A_109 : i32
    %sign3A_111 = arith.extui %sign3A_110 : i1 to i32
    %sign3A_112 = arith.constant 0 : i32
    %sign3A_113 = arith.cmpi slt, %add3A_106, %sign3A_112 : i32
    %sign3A_114 = arith.extui %sign3A_113 : i1 to i32
    %sign3A_115 = arith.subi %sign3A_111, %sign3A_114 : i32
    %sign3A_116 = arith.constant 0 : i32
    %sign3A_117 = arith.cmpi sgt, %jit3A_107, %sign3A_116 : i32
    %sign3A_118 = arith.extui %sign3A_117 : i1 to i32
    %sign3A_119 = arith.constant 0 : i32
    %sign3A_120 = arith.cmpi slt, %jit3A_107, %sign3A_119 : i32
    %sign3A_121 = arith.extui %sign3A_120 : i1 to i32
    %sign3A_122 = arith.subi %sign3A_118, %sign3A_121 : i32
    %ne3A_123 = arith.cmpi ne, %sign3A_115, %sign3A_122 : i32
    %rem3A_124 = arith.remsi %add3A_106, %jit3A_107 : i32
    %ne3A_125 = arith.constant 0 : i32
    %ne3A_126 = arith.cmpi ne, %rem3A_124, %ne3A_125 : i32
    %and3A_127 = arith.andi %ne3A_123, %ne3A_126 : i1
    %sub3A_128 = arith.constant 1 : i32
    %sub3A_129 = arith.subi %div3A_108, %sub3A_128 : i32
    %select_n3A_130 = arith.select %and3A_127, %sub3A_129, %div3A_108 : i32
    %scan3A_131 = arith.constant 0 : i32
    %scan3A_132 = arith.constant 0 : i32
    %scan3A_133 = arith.constant 61 : i32
    %scan3A_134 = arith.addi %scan3A_132, %scan3A_133 : i32
    %scan3A_135 = arith.constant 1 : i32
    %scan3A_136 = scf.for %scan3A_162 = %scan3A_132 to %scan3A_134 step %scan3A_135 iter_args(%scan3A_163 = %scan3A_131) -> (i32)  : i32 {
      %rem3A_164 = arith.constant 3 : i32
      %rem3A_165 = arith.remsi %scan3A_162, %rem3A_164 : i32
      %mul3A_166 = arith.constant 512 : i32
      %mul3A_167 = arith.muli %scan3A_162, %mul3A_166 : i32
      %add3A_168 = arith.addi %mul3A_6, %mul3A_167 : i32
      %dma_wait3A_169 = arith.constant 0 : i32
      %dma_wait3A_170 = arith.constant 0 : i32
      %dma_wait3A_171 = tpu.memref_slice %arg13[%rem3A_165, %dma_wait3A_169, %dma_wait3A_170] : memref<3x16x512xf32, #tpu.memory_space<vmem>> -> memref<1x16x512xf32, #tpu.memory_space<vmem>>
      %dma_wait3A_172 = tpu.memref_squeeze %dma_wait3A_171 : memref<1x16x512xf32, #tpu.memory_space<vmem>> -> memref<16x512xf32, #tpu.memory_space<vmem>>
      %dma_wait3A_173 = arith.constant 0 : i32
      %dma_wait3A_174 = tpu.memref_slice %arg2[%dma_wait3A_173, %add3A_168] : memref<16x1000000xf32, #tpu.memory_space<hbm>> -> memref<16x512xf32, #tpu.memory_space<hbm>>
      %dma_wait3A_175 = tpu.memref_slice %arg16[%rem3A_165] : memref<3x!tpu.dma_semaphore, #tpu.memory_space<semaphore_mem>> -> memref<1x!tpu.dma_semaphore, #tpu.memory_space<semaphore_mem>>
      %dma_wait3A_176 = tpu.memref_squeeze %dma_wait3A_175 : memref<1x!tpu.dma_semaphore, #tpu.memory_space<semaphore_mem>> -> memref<!tpu.dma_semaphore, #tpu.memory_space<semaphore_mem>>
      %dma_wait3A_177 = arith.constant 0 : i32
      %dma_wait3A_178 = arith.constant 0 : i32
      %dma_wait3A_179 = tpu.memref_slice %arg13[%rem3A_165, %dma_wait3A_177, %dma_wait3A_178] : memref<3x16x512xf32, #tpu.memory_space<vmem>> -> memref<1x16x512xf32, #tpu.memory_space<vmem>>
      %dma_wait3A_180 = tpu.memref_squeeze %dma_wait3A_179 : memref<1x16x512xf32, #tpu.memory_space<vmem>> -> memref<16x512xf32, #tpu.memory_space<vmem>>
      %dma_wait3A_181 = arith.constant 0 : i32
      %dma_wait3A_182 = tpu.memref_slice %arg2[%dma_wait3A_181, %add3A_168] : memref<16x1000000xf32, #tpu.memory_space<hbm>> -> memref<16x512xf32, #tpu.memory_space<hbm>>
      tpu.wait_dma2 semaphore(%dma_wait3A_176 : memref<!tpu.dma_semaphore, #tpu.memory_space<semaphore_mem>>) src(%dma_wait3A_182 : memref<16x512xf32, #tpu.memory_space<hbm>>) dst(%dma_wait3A_180 : memref<16x512xf32, #tpu.memory_space<vmem>>)
      %mul3A_183 = arith.constant 512 : i32
      %mul3A_184 = arith.muli %scan3A_162, %mul3A_183 : i32
      %add3A_185 = arith.constant 1 : i32
      %add3A_186 = arith.addi %scan3A_162, %add3A_185 : i32
      %mul3A_187 = arith.constant 512 : i32
      %mul3A_188 = arith.muli %add3A_186, %mul3A_187 : i32
      %while3A_189 = arith.constant 0 : i32
      %while3A_190 = arith.constant 0 : i32
      %while3A_191 = arith.subi %select_n3A_130, %while3A_189 : i32
      %while3A_192 = arith.addi %while3A_189, %while3A_191 : i32
      %while3A_193 = arith.constant 1 : i32
      %while3A_194 = arith.divsi %while3A_191, %while3A_193 : i32
      %while3A_195 = arith.muli %while3A_194, %while3A_193 : i32
      %while3A_196 = arith.addi %while3A_189, %while3A_195 : i32
      %while3A_197 = arith.constant 1 : i32
      %while3A_198 = scf.for %while3A_244 = %while3A_189 to %while3A_196 step %while3A_197 iter_args(%while3A_245 = %while3A_190) -> (i32)  : i32 {
        %mul3A_246 = arith.constant 16 : i32
        %mul3A_247 = arith.muli %while3A_244, %mul3A_246 : i32
        %get3A = arith.index_cast %mul3A_247 : i32 to index
        %get3A_248 = tpu.vector_load %arg8[%get3A] {strides = array<i32>} : memref<3088xi32, #tpu.memory_space<vmem>>, vector<16xi32>,
        %mul3A_249 = arith.constant 16 : i32
        %mul3A_250 = arith.muli %while3A_244, %mul3A_249 : i32
        %add3A_251 = vector.broadcast %mul3A_250 : i32 to vector<16xi32>
        %add3A_252 = arith.addi %iota3A, %add3A_251 : vector<16xi32>
        %ge3A_253 = vector.broadcast %mul3A_184 : i32 to vector<16xi32>
        %ge3A_254 = arith.cmpi sge, %get3A_248, %ge3A_253 : vector<16xi32>
        %lt3A_255 = vector.broadcast %mul3A_188 : i32 to vector<16xi32>
        %lt3A_256 = arith.cmpi slt, %get3A_248, %lt3A_255 : vector<16xi32>
        %and3A_257 = arith.andi %ge3A_254, %lt3A_256 : vector<16xi1>
        %lt3A_258 = vector.broadcast %min3A_60 : i32 to vector<16xi32>
        %lt3A_259 = arith.cmpi slt, %add3A_252, %lt3A_258 : vector<16xi32>
        %and3A_260 = arith.andi %and3A_257, %lt3A_259 : vector<16xi1>
        %jit3A_261 = arith.constant 1 : i32
        %jit3A_262 = arith.constant 0 : i32
        %broadcast_in_dim3A = vector.broadcast %jit3A_261 : i32 to vector<16xi32>
        %broadcast_in_dim3A_263 = vector.broadcast %jit3A_262 : i32 to vector<16xi32>
        %select_n3A_264 = arith.select %and3A_260, %broadcast_in_dim3A, %broadcast_in_dim3A_263 : vector<16xi1>, vector<16xi32>
        %broadcast_in_dim3A_265 = arith.constant true
        %broadcast_in_dim3A_266 = vector.broadcast %broadcast_in_dim3A_265 : i1 to vector<16xi1>
        %masked_cumsum3A = tpu.scan <sum>, %select_n3A_264 masked %broadcast_in_dim3A_266 : vector<16xi32>, vector<16xi1> -> vector<16xi32>
        %add3A_267 = vector.broadcast %while3A_245 : i32 to vector<16xi32>
        %add3A_268 = arith.addi %add3A_267, %masked_cumsum3A : vector<16xi32>
        %sub3A_269 = arith.constant 1 : i32
        %sub3A_270 = vector.broadcast %sub3A_269 : i32 to vector<16xi32>
        %sub3A_271 = arith.subi %add3A_268, %sub3A_270 : vector<16xi32>
        tpu.vector_store_idx %arg10[%sub3A_271], %add3A_252 masked %and3A_260 : memref<3088xi32, #tpu.memory_space<vmem>>[vector<16xi32>], vector<16xi32>, vector<16xi1>
        %slice3A = vector.extract_strided_slice %masked_cumsum3A {offsets = [15], sizes = [1], strides = [1]} : vector<16xi32> to vector<1xi32>
        %squeeze3A = vector.extract %slice3A[0] : i32 from vector<1xi32>
        %add3A_272 = arith.addi %while3A_245, %squeeze3A : i32
        scf.yield %add3A_272 : i32
      }
      %while3A_199 = arith.constant 1 : i32
      %while3A_200 = scf.for %while3A_244 = %while3A_196 to %while3A_192 step %while3A_199 iter_args(%while3A_245 = %while3A_198) -> (i32)  : i32 {
        %mul3A_246 = arith.constant 16 : i32
        %mul3A_247 = arith.muli %while3A_244, %mul3A_246 : i32
        %get3A = arith.index_cast %mul3A_247 : i32 to index
        %get3A_248 = tpu.vector_load %arg8[%get3A] {strides = array<i32>} : memref<3088xi32, #tpu.memory_space<vmem>>, vector<16xi32>,
        %mul3A_249 = arith.constant 16 : i32
        %mul3A_250 = arith.muli %while3A_244, %mul3A_249 : i32
        %add3A_251 = vector.broadcast %mul3A_250 : i32 to vector<16xi32>
        %add3A_252 = arith.addi %iota3A, %add3A_251 : vector<16xi32>
        %ge3A_253 = vector.broadcast %mul3A_184 : i32 to vector<16xi32>
        %ge3A_254 = arith.cmpi sge, %get3A_248, %ge3A_253 : vector<16xi32>
        %lt3A_255 = vector.broadcast %mul3A_188 : i32 to vector<16xi32>
        %lt3A_256 = arith.cmpi slt, %get3A_248, %lt3A_255 : vector<16xi32>
        %and3A_257 = arith.andi %ge3A_254, %lt3A_256 : vector<16xi1>
        %lt3A_258 = vector.broadcast %min3A_60 : i32 to vector<16xi32>
        %lt3A_259 = arith.cmpi slt, %add3A_252, %lt3A_258 : vector<16xi32>
        %and3A_260 = arith.andi %and3A_257, %lt3A_259 : vector<16xi1>
        %jit3A_261 = arith.constant 1 : i32
        %jit3A_262 = arith.constant 0 : i32
        %broadcast_in_dim3A = vector.broadcast %jit3A_261 : i32 to vector<16xi32>
        %broadcast_in_dim3A_263 = vector.broadcast %jit3A_262 : i32 to vector<16xi32>
        %select_n3A_264 = arith.select %and3A_260, %broadcast_in_dim3A, %broadcast_in_dim3A_263 : vector<16xi1>, vector<16xi32>
        %broadcast_in_dim3A_265 = arith.constant true
        %broadcast_in_dim3A_266 = vector.broadcast %broadcast_in_dim3A_265 : i1 to vector<16xi1>
        %masked_cumsum3A = tpu.scan <sum>, %select_n3A_264 masked %broadcast_in_dim3A_266 : vector<16xi32>, vector<16xi1> -> vector<16xi32>
        %add3A_267 = vector.broadcast %while3A_245 : i32 to vector<16xi32>
        %add3A_268 = arith.addi %add3A_267, %masked_cumsum3A : vector<16xi32>
        %sub3A_269 = arith.constant 1 : i32
        %sub3A_270 = vector.broadcast %sub3A_269 : i32 to vector<16xi32>
        %sub3A_271 = arith.subi %add3A_268, %sub3A_270 : vector<16xi32>
        tpu.vector_store_idx %arg10[%sub3A_271], %add3A_252 masked %and3A_260 : memref<3088xi32, #tpu.memory_space<vmem>>[vector<16xi32>], vector<16xi32>, vector<16xi1>
        %slice3A = vector.extract_strided_slice %masked_cumsum3A {offsets = [15], sizes = [1], strides = [1]} : vector<16xi32> to vector<1xi32>
        %squeeze3A = vector.extract %slice3A[0] : i32 from vector<1xi32>
        %add3A_272 = arith.addi %while3A_245, %squeeze3A : i32
        scf.yield %add3A_272 : i32
      }
      %mul3A_201 = arith.constant 512 : i32
      %mul3A_202 = arith.muli %scan3A_162, %mul3A_201 : i32
      %while3A_203 = arith.constant 0 : i32
      %while3A_204 = arith.constant 0 : i32
      %while3A_205 = arith.subi %while3A_200, %while3A_203 : i32
      %while3A_206 = arith.addi %while3A_203, %while3A_205 : i32
      %while3A_207 = arith.constant 1 : i32
      %while3A_208 = arith.divsi %while3A_205, %while3A_207 : i32
      %while3A_209 = arith.muli %while3A_208, %while3A_207 : i32
      %while3A_210 = arith.addi %while3A_203, %while3A_209 : i32
      %while3A_211 = arith.constant 1 : i32
      %while3A_212 = scf.for %while3A_244 = %while3A_203 to %while3A_210 step %while3A_211 iter_args(%while3A_245 = %while3A_204) -> (i32)  : i32 {
        %get3A = arith.index_cast %while3A_244 : i32 to index
        %get3A_246 = tpu.vector_load %arg10[%get3A] {strides = array<i32>} : memref<3088xi32, #tpu.memory_space<vmem>>, vector<16xi32>,
        %slice3A = vector.extract_strided_slice %get3A_246 {offsets = [0], sizes = [1], strides = [1]} : vector<16xi32> to vector<1xi32>
        %squeeze3A = vector.extract %slice3A[0] : i32 from vector<1xi32>
        %get3A_247 = arith.index_cast %squeeze3A : i32 to index
        %get3A_248 = tpu.vector_load %arg8[%get3A_247] {strides = array<i32>} : memref<3088xi32, #tpu.memory_space<vmem>>, vector<16xi32>,
        %slice3A_249 = vector.extract_strided_slice %get3A_248 {offsets = [0], sizes = [1], strides = [1]} : vector<16xi32> to vector<1xi32>
        %squeeze3A_250 = vector.extract %slice3A_249[0] : i32 from vector<1xi32>
        %sub3A_251 = arith.subi %squeeze3A_250, %mul3A_202 : i32
        %broadcast_in_dim3A = vector.broadcast %sub3A_251 : i32 to vector<16xi32>
        %mul3A_252 = arith.constant 16 : i32
        %mul3A_253 = arith.muli %squeeze3A, %mul3A_252 : i32
        %get3A_254 = arith.index_cast %mul3A_253 : i32 to index
        %get3A_255 = tpu.vector_load %arg9[%get3A_254] {strides = array<i32>} : memref<49152xf32, #tpu.memory_space<vmem>>, vector<16xf32>,
        %scatter3A = arith.constant 0 : i32
        %scatter3A_256 = arith.constant 0 : i32
        %scatter3A_257 = tpu.memref_slice %arg13[%rem3A_165, %scatter3A, %scatter3A_256] : memref<3x16x512xf32, #tpu.memory_space<vmem>> -> memref<1x16x512xf32, #tpu.memory_space<vmem>>
        %scatter3A_258 = tpu.memref_squeeze %scatter3A_257 : memref<1x16x512xf32, #tpu.memory_space<vmem>> -> memref<16x512xf32, #tpu.memory_space<vmem>>
        tpu.vector_store_idx %scatter3A_258[%iota3A, %broadcast_in_dim3A], %get3A_255 {add = true} : memref<16x512xf32, #tpu.memory_space<vmem>>[vector<16xi32>, vector<16xi32>], vector<16xf32>,
        %while3A_259 = arith.constant 0 : i32
        scf.yield %while3A_259 : i32
      }
      %while3A_213 = arith.constant 1 : i32
      %while3A_214 = scf.for %while3A_244 = %while3A_210 to %while3A_206 step %while3A_213 iter_args(%while3A_245 = %while3A_212) -> (i32)  : i32 {
        %get3A = arith.index_cast %while3A_244 : i32 to index
        %get3A_246 = tpu.vector_load %arg10[%get3A] {strides = array<i32>} : memref<3088xi32, #tpu.memory_space<vmem>>, vector<16xi32>,
        %slice3A = vector.extract_strided_slice %get3A_246 {offsets = [0], sizes = [1], strides = [1]} : vector<16xi32> to vector<1xi32>
        %squeeze3A = vector.extract %slice3A[0] : i32 from vector<1xi32>
        %get3A_247 = arith.index_cast %squeeze3A : i32 to index
        %get3A_248 = tpu.vector_load %arg8[%get3A_247] {strides = array<i32>} : memref<3088xi32, #tpu.memory_space<vmem>>, vector<16xi32>,
        %slice3A_249 = vector.extract_strided_slice %get3A_248 {offsets = [0], sizes = [1], strides = [1]} : vector<16xi32> to vector<1xi32>
        %squeeze3A_250 = vector.extract %slice3A_249[0] : i32 from vector<1xi32>
        %sub3A_251 = arith.subi %squeeze3A_250, %mul3A_202 : i32
        %broadcast_in_dim3A = vector.broadcast %sub3A_251 : i32 to vector<16xi32>
        %mul3A_252 = arith.constant 16 : i32
        %mul3A_253 = arith.muli %squeeze3A, %mul3A_252 : i32
        %get3A_254 = arith.index_cast %mul3A_253 : i32 to index
        %get3A_255 = tpu.vector_load %arg9[%get3A_254] {strides = array<i32>} : memref<49152xf32, #tpu.memory_space<vmem>>, vector<16xf32>,
        %scatter3A = arith.constant 0 : i32
        %scatter3A_256 = arith.constant 0 : i32
        %scatter3A_257 = tpu.memref_slice %arg13[%rem3A_165, %scatter3A, %scatter3A_256] : memref<3x16x512xf32, #tpu.memory_space<vmem>> -> memref<1x16x512xf32, #tpu.memory_space<vmem>>
        %scatter3A_258 = tpu.memref_squeeze %scatter3A_257 : memref<1x16x512xf32, #tpu.memory_space<vmem>> -> memref<16x512xf32, #tpu.memory_space<vmem>>
        tpu.vector_store_idx %scatter3A_258[%iota3A, %broadcast_in_dim3A], %get3A_255 {add = true} : memref<16x512xf32, #tpu.memory_space<vmem>>[vector<16xi32>, vector<16xi32>], vector<16xf32>,
        %while3A_259 = arith.constant 0 : i32
        scf.yield %while3A_259 : i32
      }
      %mul3A_215 = arith.constant 512 : i32
      %mul3A_216 = arith.muli %scan3A_162, %mul3A_215 : i32
      %add3A_217 = arith.addi %mul3A_6, %mul3A_216 : i32
      %dma_start3A_218 = arith.constant 0 : i32
      %dma_start3A_219 = arith.constant 0 : i32
      %dma_start3A_220 = tpu.memref_slice %arg13[%rem3A_165, %dma_start3A_218, %dma_start3A_219] : memref<3x16x512xf32, #tpu.memory_space<vmem>> -> memref<1x16x512xf32, #tpu.memory_space<vmem>>
      %dma_start3A_221 = tpu.memref_squeeze %dma_start3A_220 : memref<1x16x512xf32, #tpu.memory_space<vmem>> -> memref<16x512xf32, #tpu.memory_space<vmem>>
      %dma_start3A_222 = arith.constant 0 : i32
      %dma_start3A_223 = tpu.memref_slice %arg5[%dma_start3A_222, %add3A_217] : memref<16x1000000xf32, #tpu.memory_space<hbm>> -> memref<16x512xf32, #tpu.memory_space<hbm>>
      %dma_start3A_224 = tpu.memref_slice %arg17[%rem3A_165] : memref<3x!tpu.dma_semaphore, #tpu.memory_space<semaphore_mem>> -> memref<1x!tpu.dma_semaphore, #tpu.memory_space<semaphore_mem>>
      %dma_start3A_225 = tpu.memref_squeeze %dma_start3A_224 : memref<1x!tpu.dma_semaphore, #tpu.memory_space<semaphore_mem>> -> memref<!tpu.dma_semaphore, #tpu.memory_space<semaphore_mem>>
      %dma_start3A_226 = arith.constant 0 : i32
      %dma_start3A_227 = tpu.memref_slice %arg5[%dma_start3A_226, %add3A_217] : memref<16x1000000xf32, #tpu.memory_space<hbm>> -> memref<16x512xf32, #tpu.memory_space<hbm>>
      %dma_start3A_228 = arith.constant 0 : i32
      %dma_start3A_229 = arith.constant 0 : i32
      %dma_start3A_230 = tpu.memref_slice %arg13[%rem3A_165, %dma_start3A_228, %dma_start3A_229] : memref<3x16x512xf32, #tpu.memory_space<vmem>> -> memref<1x16x512xf32, #tpu.memory_space<vmem>>
      %dma_start3A_231 = tpu.memref_squeeze %dma_start3A_230 : memref<1x16x512xf32, #tpu.memory_space<vmem>> -> memref<16x512xf32, #tpu.memory_space<vmem>>
      tpu.enqueue_dma source(%dma_start3A_231 : memref<16x512xf32, #tpu.memory_space<vmem>>) target(%dma_start3A_227 : memref<16x512xf32, #tpu.memory_space<hbm>>) target_semaphore(%dma_start3A_225 : memref<!tpu.dma_semaphore, #tpu.memory_space<semaphore_mem>>)
      %ge3A = arith.constant 1 : i32
      %ge3A_232 = arith.cmpi sge, %scan3A_162, %ge3A : i32
      %convert_element_type3A_233 = arith.extui %ge3A_232 : i1 to i32
      %cond3A_234 = arith.constant 0 : i32
      %cond3A_235 = arith.cmpi ne, %convert_element_type3A_233, %cond3A_234 : i32
      scf.if %cond3A_235 {
        %sub3A_244 = arith.constant 1 : i32
        %sub3A_245 = arith.subi %scan3A_162, %sub3A_244 : i32
        %rem3A_246 = arith.constant 3 : i32
        %rem3A_247 = arith.remsi %sub3A_245, %rem3A_246 : i32
        %sub3A_248 = arith.constant 1 : i32
        %sub3A_249 = arith.subi %scan3A_162, %sub3A_248 : i32
        %mul3A_250 = arith.constant 512 : i32
        %mul3A_251 = arith.muli %sub3A_249, %mul3A_250 : i32
        %add3A_252 = arith.addi %mul3A_6, %mul3A_251 : i32
        %dma_wait3A_253 = arith.constant 0 : i32
        %dma_wait3A_254 = arith.constant 0 : i32
        %dma_wait3A_255 = tpu.memref_slice %arg13[%rem3A_247, %dma_wait3A_253, %dma_wait3A_254] : memref<3x16x512xf32, #tpu.memory_space<vmem>> -> memref<1x16x512xf32, #tpu.memory_space<vmem>>
        %dma_wait3A_256 = tpu.memref_squeeze %dma_wait3A_255 : memref<1x16x512xf32, #tpu.memory_space<vmem>> -> memref<16x512xf32, #tpu.memory_space<vmem>>
        %dma_wait3A_257 = arith.constant 0 : i32
        %dma_wait3A_258 = tpu.memref_slice %arg5[%dma_wait3A_257, %add3A_252] : memref<16x1000000xf32, #tpu.memory_space<hbm>> -> memref<16x512xf32, #tpu.memory_space<hbm>>
        %dma_wait3A_259 = tpu.memref_slice %arg17[%rem3A_247] : memref<3x!tpu.dma_semaphore, #tpu.memory_space<semaphore_mem>> -> memref<1x!tpu.dma_semaphore, #tpu.memory_space<semaphore_mem>>
        %dma_wait3A_260 = tpu.memref_squeeze %dma_wait3A_259 : memref<1x!tpu.dma_semaphore, #tpu.memory_space<semaphore_mem>> -> memref<!tpu.dma_semaphore, #tpu.memory_space<semaphore_mem>>
        %dma_wait3A_261 = arith.constant 0 : i32
        %dma_wait3A_262 = tpu.memref_slice %arg5[%dma_wait3A_261, %add3A_252] : memref<16x1000000xf32, #tpu.memory_space<hbm>> -> memref<16x512xf32, #tpu.memory_space<hbm>>
        %dma_wait3A_263 = arith.constant 0 : i32
        %dma_wait3A_264 = arith.constant 0 : i32
        %dma_wait3A_265 = tpu.memref_slice %arg13[%rem3A_247, %dma_wait3A_263, %dma_wait3A_264] : memref<3x16x512xf32, #tpu.memory_space<vmem>> -> memref<1x16x512xf32, #tpu.memory_space<vmem>>
        %dma_wait3A_266 = tpu.memref_squeeze %dma_wait3A_265 : memref<1x16x512xf32, #tpu.memory_space<vmem>> -> memref<16x512xf32, #tpu.memory_space<vmem>>
        tpu.wait_dma2 semaphore(%dma_wait3A_260 : memref<!tpu.dma_semaphore, #tpu.memory_space<semaphore_mem>>) src(%dma_wait3A_266 : memref<16x512xf32, #tpu.memory_space<vmem>>) dst(%dma_wait3A_262 : memref<16x512xf32, #tpu.memory_space<hbm>>)
      } else {
      }
      %add3A_236 = arith.constant 2 : i32
      %add3A_237 = arith.addi %scan3A_162, %add3A_236 : i32
      %lt3A_238 = arith.constant 61 : i32
      %lt3A_239 = arith.cmpi slt, %add3A_237, %lt3A_238 : i32
      %convert_element_type3A_240 = arith.extui %lt3A_239 : i1 to i32
      %cond3A_241 = arith.constant 0 : i32
      %cond3A_242 = arith.cmpi ne, %convert_element_type3A_240, %cond3A_241 : i32
      scf.if %cond3A_242 {
        %add3A_244 = arith.constant 2 : i32
        %add3A_245 = arith.addi %scan3A_162, %add3A_244 : i32
        %rem3A_246 = arith.constant 3 : i32
        %rem3A_247 = arith.remsi %add3A_245, %rem3A_246 : i32
        %add3A_248 = arith.constant 2 : i32
        %add3A_249 = arith.addi %scan3A_162, %add3A_248 : i32
        %mul3A_250 = arith.constant 512 : i32
        %mul3A_251 = arith.muli %add3A_249, %mul3A_250 : i32
        %add3A_252 = arith.addi %mul3A_6, %mul3A_251 : i32
        %dma_start3A_253 = arith.constant 0 : i32
        %dma_start3A_254 = arith.constant 0 : i32
        %dma_start3A_255 = tpu.memref_slice %arg13[%rem3A_247, %dma_start3A_253, %dma_start3A_254] : memref<3x16x512xf32, #tpu.memory_space<vmem>> -> memref<1x16x512xf32, #tpu.memory_space<vmem>>
        %dma_start3A_256 = tpu.memref_squeeze %dma_start3A_255 : memref<1x16x512xf32, #tpu.memory_space<vmem>> -> memref<16x512xf32, #tpu.memory_space<vmem>>
        %dma_start3A_257 = arith.constant 0 : i32
        %dma_start3A_258 = tpu.memref_slice %arg2[%dma_start3A_257, %add3A_252] : memref<16x1000000xf32, #tpu.memory_space<hbm>> -> memref<16x512xf32, #tpu.memory_space<hbm>>
        %dma_start3A_259 = tpu.memref_slice %arg16[%rem3A_247] : memref<3x!tpu.dma_semaphore, #tpu.memory_space<semaphore_mem>> -> memref<1x!tpu.dma_semaphore, #tpu.memory_space<semaphore_mem>>
        %dma_start3A_260 = tpu.memref_squeeze %dma_start3A_259 : memref<1x!tpu.dma_semaphore, #tpu.memory_space<semaphore_mem>> -> memref<!tpu.dma_semaphore, #tpu.memory_space<semaphore_mem>>
        %dma_start3A_261 = arith.constant 0 : i32
        %dma_start3A_262 = arith.constant 0 : i32
        %dma_start3A_263 = tpu.memref_slice %arg13[%rem3A_247, %dma_start3A_261, %dma_start3A_262] : memref<3x16x512xf32, #tpu.memory_space<vmem>> -> memref<1x16x512xf32, #tpu.memory_space<vmem>>
        %dma_start3A_264 = tpu.memref_squeeze %dma_start3A_263 : memref<1x16x512xf32, #tpu.memory_space<vmem>> -> memref<16x512xf32, #tpu.memory_space<vmem>>
        %dma_start3A_265 = arith.constant 0 : i32
        %dma_start3A_266 = tpu.memref_slice %arg2[%dma_start3A_265, %add3A_252] : memref<16x1000000xf32, #tpu.memory_space<hbm>> -> memref<16x512xf32, #tpu.memory_space<hbm>>
        tpu.enqueue_dma source(%dma_start3A_266 : memref<16x512xf32, #tpu.memory_space<hbm>>) target(%dma_start3A_264 : memref<16x512xf32, #tpu.memory_space<vmem>>) target_semaphore(%dma_start3A_260 : memref<!tpu.dma_semaphore, #tpu.memory_space<semaphore_mem>>)
      } else {
      }
      %scan3A_243 = arith.constant 0 : i32
      scf.yield %scan3A_243 : i32
    }
    %scan3A_137 = arith.constant 61 : i32
    %add3A_138 = arith.constant 30720 : i32
    %add3A_139 = arith.addi %mul3A_6, %add3A_138 : i32
    %dma_wait3A = arith.constant 0 : i32
    %dma_wait3A_140 = arith.constant 0 : i32
    %dma_wait3A_141 = arith.constant 0 : i32
    %dma_wait3A_142 = arith.constant 0 : i32
    %dma_wait3A_143 = tpu.memref_slice %arg13[%dma_wait3A, %dma_wait3A_141, %dma_wait3A_142] : memref<3x16x512xf32, #tpu.memory_space<vmem>> -> memref<1x16x512xf32, #tpu.memory_space<vmem>>
    %dma_wait3A_144 = tpu.memref_squeeze %dma_wait3A_143 : memref<1x16x512xf32, #tpu.memory_space<vmem>> -> memref<16x512xf32, #tpu.memory_space<vmem>>
    %dma_wait3A_145 = arith.constant 0 : i32
    %dma_wait3A_146 = tpu.memref_slice %arg5[%dma_wait3A_145, %add3A_139] : memref<16x1000000xf32, #tpu.memory_space<hbm>> -> memref<16x512xf32, #tpu.memory_space<hbm>>
    %dma_wait3A_147 = tpu.memref_slice %arg17[%dma_wait3A_140] : memref<3x!tpu.dma_semaphore, #tpu.memory_space<semaphore_mem>> -> memref<1x!tpu.dma_semaphore, #tpu.memory_space<semaphore_mem>>
    %dma_wait3A_148 = tpu.memref_squeeze %dma_wait3A_147 : memref<1x!tpu.dma_semaphore, #tpu.memory_space<semaphore_mem>> -> memref<!tpu.dma_semaphore, #tpu.memory_space<semaphore_mem>>
    %dma_wait3A_149 = arith.constant 0 : i32
    %dma_wait3A_150 = tpu.memref_slice %arg5[%dma_wait3A_149, %add3A_139] : memref<16x1000000xf32, #tpu.memory_space<hbm>> -> memref<16x512xf32, #tpu.memory_space<hbm>>
    %dma_wait3A_151 = arith.constant 0 : i32
    %dma_wait3A_152 = arith.constant 0 : i32
    %dma_wait3A_153 = tpu.memref_slice %arg13[%dma_wait3A, %dma_wait3A_151, %dma_wait3A_152] : memref<3x16x512xf32, #tpu.memory_space<vmem>> -> memref<1x16x512xf32, #tpu.memory_space<vmem>>
    %dma_wait3A_154 = tpu.memref_squeeze %dma_wait3A_153 : memref<1x16x512xf32, #tpu.memory_space<vmem>> -> memref<16x512xf32, #tpu.memory_space<vmem>>
    tpu.wait_dma2 semaphore(%dma_wait3A_148 : memref<!tpu.dma_semaphore, #tpu.memory_space<semaphore_mem>>) src(%dma_wait3A_154 : memref<16x512xf32, #tpu.memory_space<vmem>>) dst(%dma_wait3A_150 : memref<16x512xf32, #tpu.memory_space<hbm>>)
    %lt3A_155 = arith.constant 4 : i32
    %lt3A_156 = arith.cmpi slt, %add3A, %lt3A_155 : i32
    %convert_element_type3A = arith.extui %lt3A_156 : i1 to i32
    %cond3A = arith.constant 0 : i32
    %cond3A_157 = arith.cmpi ne, %convert_element_type3A, %cond3A : i32
    scf.if %cond3A_157 {
      %add3A_162 = arith.constant 31232 : i32
      %add3A_163 = arith.addi %mul3A_6, %add3A_162 : i32
      "tpu.region"() ({
        %run_scoped3A = tpu.sem_alloc : memref<!tpu.dma_semaphore, #tpu.memory_space<semaphore_mem>>
        %dma_start3A_188 = arith.constant 0 : i32
        %dma_start3A_189 = tpu.memref_slice %arg2[%dma_start3A_188, %add3A_163] : memref<16x1000000xf32, #tpu.memory_space<hbm>> -> memref<16x128xf32, #tpu.memory_space<hbm>>
        %dma_start3A_190 = arith.constant 0 : i32
        %dma_start3A_191 = tpu.memref_slice %arg2[%dma_start3A_190, %add3A_163] : memref<16x1000000xf32, #tpu.memory_space<hbm>> -> memref<16x128xf32, #tpu.memory_space<hbm>>
        tpu.enqueue_dma source(%dma_start3A_191 : memref<16x128xf32, #tpu.memory_space<hbm>>) target(%arg14 : memref<16x128xf32, #tpu.memory_space<vmem>>) target_semaphore(%run_scoped3A : memref<!tpu.dma_semaphore, #tpu.memory_space<semaphore_mem>>)
        %dma_wait3A_192 = arith.constant 0 : i32
        %dma_wait3A_193 = tpu.memref_slice %arg2[%dma_wait3A_192, %add3A_163] : memref<16x1000000xf32, #tpu.memory_space<hbm>> -> memref<16x128xf32, #tpu.memory_space<hbm>>
        %dma_wait3A_194 = arith.constant 0 : i32
        %dma_wait3A_195 = tpu.memref_slice %arg2[%dma_wait3A_194, %add3A_163] : memref<16x1000000xf32, #tpu.memory_space<hbm>> -> memref<16x128xf32, #tpu.memory_space<hbm>>
        tpu.wait_dma2 semaphore(%run_scoped3A : memref<!tpu.dma_semaphore, #tpu.memory_space<semaphore_mem>>) src(%dma_wait3A_195 : memref<16x128xf32, #tpu.memory_space<hbm>>) dst(%arg14 : memref<16x128xf32, #tpu.memory_space<vmem>>)
        tpu.yield
      }) : () -> ()
      %while3A_164 = arith.constant 0 : i32
      %while3A_165 = arith.constant 0 : i32
      %while3A_166 = arith.subi %select_n3A_130, %while3A_164 : i32
      %while3A_167 = arith.addi %while3A_164, %while3A_166 : i32
      %while3A_168 = arith.constant 1 : i32
      %while3A_169 = arith.divsi %while3A_166, %while3A_168 : i32
      %while3A_170 = arith.muli %while3A_169, %while3A_168 : i32
      %while3A_171 = arith.addi %while3A_164, %while3A_170 : i32
      %while3A_172 = arith.constant 1 : i32
      %while3A_173 = scf.for %while3A_188 = %while3A_164 to %while3A_171 step %while3A_172 iter_args(%while3A_189 = %while3A_165) -> (i32)  : i32 {
        %mul3A_190 = arith.constant 16 : i32
        %mul3A_191 = arith.muli %while3A_188, %mul3A_190 : i32
        %get3A = arith.index_cast %mul3A_191 : i32 to index
        %get3A_192 = tpu.vector_load %arg8[%get3A] {strides = array<i32>} : memref<3088xi32, #tpu.memory_space<vmem>>, vector<16xi32>,
        %mul3A_193 = arith.constant 16 : i32
        %mul3A_194 = arith.muli %while3A_188, %mul3A_193 : i32
        %add3A_195 = vector.broadcast %mul3A_194 : i32 to vector<16xi32>
        %add3A_196 = arith.addi %iota3A, %add3A_195 : vector<16xi32>
        %ge3A = arith.constant 31232 : i32
        %ge3A_197 = vector.broadcast %ge3A : i32 to vector<16xi32>
        %ge3A_198 = arith.cmpi sge, %get3A_192, %ge3A_197 : vector<16xi32>
        %lt3A_199 = arith.constant 31360 : i32
        %lt3A_200 = vector.broadcast %lt3A_199 : i32 to vector<16xi32>
        %lt3A_201 = arith.cmpi slt, %get3A_192, %lt3A_200 : vector<16xi32>
        %and3A_202 = arith.andi %ge3A_198, %lt3A_201 : vector<16xi1>
        %lt3A_203 = vector.broadcast %min3A_60 : i32 to vector<16xi32>
        %lt3A_204 = arith.cmpi slt, %add3A_196, %lt3A_203 : vector<16xi32>
        %and3A_205 = arith.andi %and3A_202, %lt3A_204 : vector<16xi1>
        %jit3A_206 = arith.constant 1 : i32
        %jit3A_207 = arith.constant 0 : i32
        %broadcast_in_dim3A = vector.broadcast %jit3A_206 : i32 to vector<16xi32>
        %broadcast_in_dim3A_208 = vector.broadcast %jit3A_207 : i32 to vector<16xi32>
        %select_n3A_209 = arith.select %and3A_205, %broadcast_in_dim3A, %broadcast_in_dim3A_208 : vector<16xi1>, vector<16xi32>
        %broadcast_in_dim3A_210 = arith.constant true
        %broadcast_in_dim3A_211 = vector.broadcast %broadcast_in_dim3A_210 : i1 to vector<16xi1>
        %masked_cumsum3A = tpu.scan <sum>, %select_n3A_209 masked %broadcast_in_dim3A_211 : vector<16xi32>, vector<16xi1> -> vector<16xi32>
        %add3A_212 = vector.broadcast %while3A_189 : i32 to vector<16xi32>
        %add3A_213 = arith.addi %add3A_212, %masked_cumsum3A : vector<16xi32>
        %sub3A_214 = arith.constant 1 : i32
        %sub3A_215 = vector.broadcast %sub3A_214 : i32 to vector<16xi32>
        %sub3A_216 = arith.subi %add3A_213, %sub3A_215 : vector<16xi32>
        tpu.vector_store_idx %arg10[%sub3A_216], %add3A_196 masked %and3A_205 : memref<3088xi32, #tpu.memory_space<vmem>>[vector<16xi32>], vector<16xi32>, vector<16xi1>
        %slice3A = vector.extract_strided_slice %masked_cumsum3A {offsets = [15], sizes = [1], strides = [1]} : vector<16xi32> to vector<1xi32>
        %squeeze3A = vector.extract %slice3A[0] : i32 from vector<1xi32>
        %add3A_217 = arith.addi %while3A_189, %squeeze3A : i32
        scf.yield %add3A_217 : i32
      }
      %while3A_174 = arith.constant 1 : i32
      %while3A_175 = scf.for %while3A_188 = %while3A_171 to %while3A_167 step %while3A_174 iter_args(%while3A_189 = %while3A_173) -> (i32)  : i32 {
        %mul3A_190 = arith.constant 16 : i32
        %mul3A_191 = arith.muli %while3A_188, %mul3A_190 : i32
        %get3A = arith.index_cast %mul3A_191 : i32 to index
        %get3A_192 = tpu.vector_load %arg8[%get3A] {strides = array<i32>} : memref<3088xi32, #tpu.memory_space<vmem>>, vector<16xi32>,
        %mul3A_193 = arith.constant 16 : i32
        %mul3A_194 = arith.muli %while3A_188, %mul3A_193 : i32
        %add3A_195 = vector.broadcast %mul3A_194 : i32 to vector<16xi32>
        %add3A_196 = arith.addi %iota3A, %add3A_195 : vector<16xi32>
        %ge3A = arith.constant 31232 : i32
        %ge3A_197 = vector.broadcast %ge3A : i32 to vector<16xi32>
        %ge3A_198 = arith.cmpi sge, %get3A_192, %ge3A_197 : vector<16xi32>
        %lt3A_199 = arith.constant 31360 : i32
        %lt3A_200 = vector.broadcast %lt3A_199 : i32 to vector<16xi32>
        %lt3A_201 = arith.cmpi slt, %get3A_192, %lt3A_200 : vector<16xi32>
        %and3A_202 = arith.andi %ge3A_198, %lt3A_201 : vector<16xi1>
        %lt3A_203 = vector.broadcast %min3A_60 : i32 to vector<16xi32>
        %lt3A_204 = arith.cmpi slt, %add3A_196, %lt3A_203 : vector<16xi32>
        %and3A_205 = arith.andi %and3A_202, %lt3A_204 : vector<16xi1>
        %jit3A_206 = arith.constant 1 : i32
        %jit3A_207 = arith.constant 0 : i32
        %broadcast_in_dim3A = vector.broadcast %jit3A_206 : i32 to vector<16xi32>
        %broadcast_in_dim3A_208 = vector.broadcast %jit3A_207 : i32 to vector<16xi32>
        %select_n3A_209 = arith.select %and3A_205, %broadcast_in_dim3A, %broadcast_in_dim3A_208 : vector<16xi1>, vector<16xi32>
        %broadcast_in_dim3A_210 = arith.constant true
        %broadcast_in_dim3A_211 = vector.broadcast %broadcast_in_dim3A_210 : i1 to vector<16xi1>
        %masked_cumsum3A = tpu.scan <sum>, %select_n3A_209 masked %broadcast_in_dim3A_211 : vector<16xi32>, vector<16xi1> -> vector<16xi32>
        %add3A_212 = vector.broadcast %while3A_189 : i32 to vector<16xi32>
        %add3A_213 = arith.addi %add3A_212, %masked_cumsum3A : vector<16xi32>
        %sub3A_214 = arith.constant 1 : i32
        %sub3A_215 = vector.broadcast %sub3A_214 : i32 to vector<16xi32>
        %sub3A_216 = arith.subi %add3A_213, %sub3A_215 : vector<16xi32>
        tpu.vector_store_idx %arg10[%sub3A_216], %add3A_196 masked %and3A_205 : memref<3088xi32, #tpu.memory_space<vmem>>[vector<16xi32>], vector<16xi32>, vector<16xi1>
        %slice3A = vector.extract_strided_slice %masked_cumsum3A {offsets = [15], sizes = [1], strides = [1]} : vector<16xi32> to vector<1xi32>
        %squeeze3A = vector.extract %slice3A[0] : i32 from vector<1xi32>
        %add3A_217 = arith.addi %while3A_189, %squeeze3A : i32
        scf.yield %add3A_217 : i32
      }
      %while3A_176 = arith.constant 0 : i32
      %while3A_177 = arith.constant 0 : i32
      %while3A_178 = arith.subi %while3A_175, %while3A_176 : i32
      %while3A_179 = arith.addi %while3A_176, %while3A_178 : i32
      %while3A_180 = arith.constant 1 : i32
      %while3A_181 = arith.divsi %while3A_178, %while3A_180 : i32
      %while3A_182 = arith.muli %while3A_181, %while3A_180 : i32
      %while3A_183 = arith.addi %while3A_176, %while3A_182 : i32
      %while3A_184 = arith.constant 1 : i32
      %while3A_185 = scf.for %while3A_188 = %while3A_176 to %while3A_183 step %while3A_184 iter_args(%while3A_189 = %while3A_177) -> (i32)  : i32 {
        %get3A = arith.index_cast %while3A_188 : i32 to index
        %get3A_190 = tpu.vector_load %arg10[%get3A] {strides = array<i32>} : memref<3088xi32, #tpu.memory_space<vmem>>, vector<16xi32>,
        %slice3A = vector.extract_strided_slice %get3A_190 {offsets = [0], sizes = [1], strides = [1]} : vector<16xi32> to vector<1xi32>
        %squeeze3A = vector.extract %slice3A[0] : i32 from vector<1xi32>
        %get3A_191 = arith.index_cast %squeeze3A : i32 to index
        %get3A_192 = tpu.vector_load %arg8[%get3A_191] {strides = array<i32>} : memref<3088xi32, #tpu.memory_space<vmem>>, vector<16xi32>,
        %slice3A_193 = vector.extract_strided_slice %get3A_192 {offsets = [0], sizes = [1], strides = [1]} : vector<16xi32> to vector<1xi32>
        %squeeze3A_194 = vector.extract %slice3A_193[0] : i32 from vector<1xi32>
        %sub3A_195 = arith.constant 31232 : i32
        %sub3A_196 = arith.subi %squeeze3A_194, %sub3A_195 : i32
        %broadcast_in_dim3A = vector.broadcast %sub3A_196 : i32 to vector<16xi32>
        %mul3A_197 = arith.constant 16 : i32
        %mul3A_198 = arith.muli %squeeze3A, %mul3A_197 : i32
        %get3A_199 = arith.index_cast %mul3A_198 : i32 to index
        %get3A_200 = tpu.vector_load %arg9[%get3A_199] {strides = array<i32>} : memref<49152xf32, #tpu.memory_space<vmem>>, vector<16xf32>,
        tpu.vector_store_idx %arg14[%iota3A, %broadcast_in_dim3A], %get3A_200 {add = true} : memref<16x128xf32, #tpu.memory_space<vmem>>[vector<16xi32>, vector<16xi32>], vector<16xf32>,
        %while3A_201 = arith.constant 0 : i32
        scf.yield %while3A_201 : i32
      }
      %while3A_186 = arith.constant 1 : i32
      %while3A_187 = scf.for %while3A_188 = %while3A_183 to %while3A_179 step %while3A_186 iter_args(%while3A_189 = %while3A_185) -> (i32)  : i32 {
        %get3A = arith.index_cast %while3A_188 : i32 to index
        %get3A_190 = tpu.vector_load %arg10[%get3A] {strides = array<i32>} : memref<3088xi32, #tpu.memory_space<vmem>>, vector<16xi32>,
        %slice3A = vector.extract_strided_slice %get3A_190 {offsets = [0], sizes = [1], strides = [1]} : vector<16xi32> to vector<1xi32>
        %squeeze3A = vector.extract %slice3A[0] : i32 from vector<1xi32>
        %get3A_191 = arith.index_cast %squeeze3A : i32 to index
        %get3A_192 = tpu.vector_load %arg8[%get3A_191] {strides = array<i32>} : memref<3088xi32, #tpu.memory_space<vmem>>, vector<16xi32>,
        %slice3A_193 = vector.extract_strided_slice %get3A_192 {offsets = [0], sizes = [1], strides = [1]} : vector<16xi32> to vector<1xi32>
        %squeeze3A_194 = vector.extract %slice3A_193[0] : i32 from vector<1xi32>
        %sub3A_195 = arith.constant 31232 : i32
        %sub3A_196 = arith.subi %squeeze3A_194, %sub3A_195 : i32
        %broadcast_in_dim3A = vector.broadcast %sub3A_196 : i32 to vector<16xi32>
        %mul3A_197 = arith.constant 16 : i32
        %mul3A_198 = arith.muli %squeeze3A, %mul3A_197 : i32
        %get3A_199 = arith.index_cast %mul3A_198 : i32 to index
        %get3A_200 = tpu.vector_load %arg9[%get3A_199] {strides = array<i32>} : memref<49152xf32, #tpu.memory_space<vmem>>, vector<16xf32>,
        tpu.vector_store_idx %arg14[%iota3A, %broadcast_in_dim3A], %get3A_200 {add = true} : memref<16x128xf32, #tpu.memory_space<vmem>>[vector<16xi32>, vector<16xi32>], vector<16xf32>,
        %while3A_201 = arith.constant 0 : i32
        scf.yield %while3A_201 : i32
      }
      "tpu.region"() ({
        %run_scoped3A = tpu.sem_alloc : memref<!tpu.dma_semaphore, #tpu.memory_space<semaphore_mem>>
        %dma_start3A_188 = arith.constant 0 : i32
        %dma_start3A_189 = tpu.memref_slice %arg5[%dma_start3A_188, %add3A_163] : memref<16x1000000xf32, #tpu.memory_space<hbm>> -> memref<16x128xf32, #tpu.memory_space<hbm>>
        %dma_start3A_190 = arith.constant 0 : i32
        %dma_start3A_191 = tpu.memref_slice %arg5[%dma_start3A_190, %add3A_163] : memref<16x1000000xf32, #tpu.memory_space<hbm>> -> memref<16x128xf32, #tpu.memory_space<hbm>>
        tpu.enqueue_dma source(%arg14 : memref<16x128xf32, #tpu.memory_space<vmem>>) target(%dma_start3A_191 : memref<16x128xf32, #tpu.memory_space<hbm>>) target_semaphore(%run_scoped3A : memref<!tpu.dma_semaphore, #tpu.memory_space<semaphore_mem>>)
        %dma_wait3A_192 = arith.constant 0 : i32
        %dma_wait3A_193 = tpu.memref_slice %arg5[%dma_wait3A_192, %add3A_163] : memref<16x1000000xf32, #tpu.memory_space<hbm>> -> memref<16x128xf32, #tpu.memory_space<hbm>>
        %dma_wait3A_194 = arith.constant 0 : i32
        %dma_wait3A_195 = tpu.memref_slice %arg5[%dma_wait3A_194, %add3A_163] : memref<16x1000000xf32, #tpu.memory_space<hbm>> -> memref<16x128xf32, #tpu.memory_space<hbm>>
        tpu.wait_dma2 semaphore(%run_scoped3A : memref<!tpu.dma_semaphore, #tpu.memory_space<semaphore_mem>>) src(%arg14 : memref<16x128xf32, #tpu.memory_space<vmem>>) dst(%dma_wait3A_195 : memref<16x128xf32, #tpu.memory_space<hbm>>)
        tpu.yield
      }) : () -> ()
    } else {
    }
    %eq3A = arith.constant 4 : i32
    %eq3A_158 = arith.cmpi eq, %add3A, %eq3A : i32
    %convert_element_type3A_159 = arith.extui %eq3A_158 : i1 to i32
    %cond3A_160 = arith.constant 0 : i32
    %cond3A_161 = arith.cmpi ne, %convert_element_type3A_159, %cond3A_160 : i32
    scf.if %cond3A_161 {
      "tpu.region"() ({
        %run_scoped3A = tpu.sem_alloc : memref<!tpu.dma_semaphore, #tpu.memory_space<semaphore_mem>>
        %dma_start3A_186 = arith.constant 0 : i32
        %dma_start3A_187 = arith.constant 999936 : i32
        %dma_start3A_188 = tpu.memref_slice %arg2[%dma_start3A_186, %dma_start3A_187] : memref<16x1000000xf32, #tpu.memory_space<hbm>> -> memref<16x64xf32, #tpu.memory_space<hbm>>
        %dma_start3A_189 = arith.constant 0 : i32
        %dma_start3A_190 = arith.constant 999936 : i32
        %dma_start3A_191 = tpu.memref_slice %arg2[%dma_start3A_189, %dma_start3A_190] : memref<16x1000000xf32, #tpu.memory_space<hbm>> -> memref<16x64xf32, #tpu.memory_space<hbm>>
        tpu.enqueue_dma source(%dma_start3A_191 : memref<16x64xf32, #tpu.memory_space<hbm>>) target(%arg15 : memref<16x64xf32, #tpu.memory_space<vmem>>) target_semaphore(%run_scoped3A : memref<!tpu.dma_semaphore, #tpu.memory_space<semaphore_mem>>)
        %dma_wait3A_192 = arith.constant 0 : i32
        %dma_wait3A_193 = arith.constant 999936 : i32
        %dma_wait3A_194 = tpu.memref_slice %arg2[%dma_wait3A_192, %dma_wait3A_193] : memref<16x1000000xf32, #tpu.memory_space<hbm>> -> memref<16x64xf32, #tpu.memory_space<hbm>>
        %dma_wait3A_195 = arith.constant 0 : i32
        %dma_wait3A_196 = arith.constant 999936 : i32
        %dma_wait3A_197 = tpu.memref_slice %arg2[%dma_wait3A_195, %dma_wait3A_196] : memref<16x1000000xf32, #tpu.memory_space<hbm>> -> memref<16x64xf32, #tpu.memory_space<hbm>>
        tpu.wait_dma2 semaphore(%run_scoped3A : memref<!tpu.dma_semaphore, #tpu.memory_space<semaphore_mem>>) src(%dma_wait3A_197 : memref<16x64xf32, #tpu.memory_space<hbm>>) dst(%arg15 : memref<16x64xf32, #tpu.memory_space<vmem>>)
        tpu.yield
      }) : () -> ()
      %while3A_162 = arith.constant 0 : i32
      %while3A_163 = arith.constant 0 : i32
      %while3A_164 = arith.subi %select_n3A_130, %while3A_162 : i32
      %while3A_165 = arith.addi %while3A_162, %while3A_164 : i32
      %while3A_166 = arith.constant 1 : i32
      %while3A_167 = arith.divsi %while3A_164, %while3A_166 : i32
      %while3A_168 = arith.muli %while3A_167, %while3A_166 : i32
      %while3A_169 = arith.addi %while3A_162, %while3A_168 : i32
      %while3A_170 = arith.constant 1 : i32
      %while3A_171 = scf.for %while3A_186 = %while3A_162 to %while3A_169 step %while3A_170 iter_args(%while3A_187 = %while3A_163) -> (i32)  : i32 {
        %mul3A_188 = arith.constant 16 : i32
        %mul3A_189 = arith.muli %while3A_186, %mul3A_188 : i32
        %get3A = arith.index_cast %mul3A_189 : i32 to index
        %get3A_190 = tpu.vector_load %arg8[%get3A] {strides = array<i32>} : memref<3088xi32, #tpu.memory_space<vmem>>, vector<16xi32>,
        %mul3A_191 = arith.constant 16 : i32
        %mul3A_192 = arith.muli %while3A_186, %mul3A_191 : i32
        %add3A_193 = vector.broadcast %mul3A_192 : i32 to vector<16xi32>
        %add3A_194 = arith.addi %iota3A, %add3A_193 : vector<16xi32>
        %ge3A = arith.constant 31232 : i32
        %ge3A_195 = vector.broadcast %ge3A : i32 to vector<16xi32>
        %ge3A_196 = arith.cmpi sge, %get3A_190, %ge3A_195 : vector<16xi32>
        %lt3A_197 = arith.constant 31296 : i32
        %lt3A_198 = vector.broadcast %lt3A_197 : i32 to vector<16xi32>
        %lt3A_199 = arith.cmpi slt, %get3A_190, %lt3A_198 : vector<16xi32>
        %and3A_200 = arith.andi %ge3A_196, %lt3A_199 : vector<16xi1>
        %lt3A_201 = vector.broadcast %min3A_60 : i32 to vector<16xi32>
        %lt3A_202 = arith.cmpi slt, %add3A_194, %lt3A_201 : vector<16xi32>
        %and3A_203 = arith.andi %and3A_200, %lt3A_202 : vector<16xi1>
        %jit3A_204 = arith.constant 1 : i32
        %jit3A_205 = arith.constant 0 : i32
        %broadcast_in_dim3A = vector.broadcast %jit3A_204 : i32 to vector<16xi32>
        %broadcast_in_dim3A_206 = vector.broadcast %jit3A_205 : i32 to vector<16xi32>
        %select_n3A_207 = arith.select %and3A_203, %broadcast_in_dim3A, %broadcast_in_dim3A_206 : vector<16xi1>, vector<16xi32>
        %broadcast_in_dim3A_208 = arith.constant true
        %broadcast_in_dim3A_209 = vector.broadcast %broadcast_in_dim3A_208 : i1 to vector<16xi1>
        %masked_cumsum3A = tpu.scan <sum>, %select_n3A_207 masked %broadcast_in_dim3A_209 : vector<16xi32>, vector<16xi1> -> vector<16xi32>
        %add3A_210 = vector.broadcast %while3A_187 : i32 to vector<16xi32>
        %add3A_211 = arith.addi %add3A_210, %masked_cumsum3A : vector<16xi32>
        %sub3A_212 = arith.constant 1 : i32
        %sub3A_213 = vector.broadcast %sub3A_212 : i32 to vector<16xi32>
        %sub3A_214 = arith.subi %add3A_211, %sub3A_213 : vector<16xi32>
        tpu.vector_store_idx %arg10[%sub3A_214], %add3A_194 masked %and3A_203 : memref<3088xi32, #tpu.memory_space<vmem>>[vector<16xi32>], vector<16xi32>, vector<16xi1>
        %slice3A = vector.extract_strided_slice %masked_cumsum3A {offsets = [15], sizes = [1], strides = [1]} : vector<16xi32> to vector<1xi32>
        %squeeze3A = vector.extract %slice3A[0] : i32 from vector<1xi32>
        %add3A_215 = arith.addi %while3A_187, %squeeze3A : i32
        scf.yield %add3A_215 : i32
      }
      %while3A_172 = arith.constant 1 : i32
      %while3A_173 = scf.for %while3A_186 = %while3A_169 to %while3A_165 step %while3A_172 iter_args(%while3A_187 = %while3A_171) -> (i32)  : i32 {
        %mul3A_188 = arith.constant 16 : i32
        %mul3A_189 = arith.muli %while3A_186, %mul3A_188 : i32
        %get3A = arith.index_cast %mul3A_189 : i32 to index
        %get3A_190 = tpu.vector_load %arg8[%get3A] {strides = array<i32>} : memref<3088xi32, #tpu.memory_space<vmem>>, vector<16xi32>,
        %mul3A_191 = arith.constant 16 : i32
        %mul3A_192 = arith.muli %while3A_186, %mul3A_191 : i32
        %add3A_193 = vector.broadcast %mul3A_192 : i32 to vector<16xi32>
        %add3A_194 = arith.addi %iota3A, %add3A_193 : vector<16xi32>
        %ge3A = arith.constant 31232 : i32
        %ge3A_195 = vector.broadcast %ge3A : i32 to vector<16xi32>
        %ge3A_196 = arith.cmpi sge, %get3A_190, %ge3A_195 : vector<16xi32>
        %lt3A_197 = arith.constant 31296 : i32
        %lt3A_198 = vector.broadcast %lt3A_197 : i32 to vector<16xi32>
        %lt3A_199 = arith.cmpi slt, %get3A_190, %lt3A_198 : vector<16xi32>
        %and3A_200 = arith.andi %ge3A_196, %lt3A_199 : vector<16xi1>
        %lt3A_201 = vector.broadcast %min3A_60 : i32 to vector<16xi32>
        %lt3A_202 = arith.cmpi slt, %add3A_194, %lt3A_201 : vector<16xi32>
        %and3A_203 = arith.andi %and3A_200, %lt3A_202 : vector<16xi1>
        %jit3A_204 = arith.constant 1 : i32
        %jit3A_205 = arith.constant 0 : i32
        %broadcast_in_dim3A = vector.broadcast %jit3A_204 : i32 to vector<16xi32>
        %broadcast_in_dim3A_206 = vector.broadcast %jit3A_205 : i32 to vector<16xi32>
        %select_n3A_207 = arith.select %and3A_203, %broadcast_in_dim3A, %broadcast_in_dim3A_206 : vector<16xi1>, vector<16xi32>
        %broadcast_in_dim3A_208 = arith.constant true
        %broadcast_in_dim3A_209 = vector.broadcast %broadcast_in_dim3A_208 : i1 to vector<16xi1>
        %masked_cumsum3A = tpu.scan <sum>, %select_n3A_207 masked %broadcast_in_dim3A_209 : vector<16xi32>, vector<16xi1> -> vector<16xi32>
        %add3A_210 = vector.broadcast %while3A_187 : i32 to vector<16xi32>
        %add3A_211 = arith.addi %add3A_210, %masked_cumsum3A : vector<16xi32>
        %sub3A_212 = arith.constant 1 : i32
        %sub3A_213 = vector.broadcast %sub3A_212 : i32 to vector<16xi32>
        %sub3A_214 = arith.subi %add3A_211, %sub3A_213 : vector<16xi32>
        tpu.vector_store_idx %arg10[%sub3A_214], %add3A_194 masked %and3A_203 : memref<3088xi32, #tpu.memory_space<vmem>>[vector<16xi32>], vector<16xi32>, vector<16xi1>
        %slice3A = vector.extract_strided_slice %masked_cumsum3A {offsets = [15], sizes = [1], strides = [1]} : vector<16xi32> to vector<1xi32>
        %squeeze3A = vector.extract %slice3A[0] : i32 from vector<1xi32>
        %add3A_215 = arith.addi %while3A_187, %squeeze3A : i32
        scf.yield %add3A_215 : i32
      }
      %while3A_174 = arith.constant 0 : i32
      %while3A_175 = arith.constant 0 : i32
      %while3A_176 = arith.subi %while3A_173, %while3A_174 : i32
      %while3A_177 = arith.addi %while3A_174, %while3A_176 : i32
      %while3A_178 = arith.constant 1 : i32
      %while3A_179 = arith.divsi %while3A_176, %while3A_178 : i32
      %while3A_180 = arith.muli %while3A_179, %while3A_178 : i32
      %while3A_181 = arith.addi %while3A_174, %while3A_180 : i32
      %while3A_182 = arith.constant 1 : i32
      %while3A_183 = scf.for %while3A_186 = %while3A_174 to %while3A_181 step %while3A_182 iter_args(%while3A_187 = %while3A_175) -> (i32)  : i32 {
        %get3A = arith.index_cast %while3A_186 : i32 to index
        %get3A_188 = tpu.vector_load %arg10[%get3A] {strides = array<i32>} : memref<3088xi32, #tpu.memory_space<vmem>>, vector<16xi32>,
        %slice3A = vector.extract_strided_slice %get3A_188 {offsets = [0], sizes = [1], strides = [1]} : vector<16xi32> to vector<1xi32>
        %squeeze3A = vector.extract %slice3A[0] : i32 from vector<1xi32>
        %get3A_189 = arith.index_cast %squeeze3A : i32 to index
        %get3A_190 = tpu.vector_load %arg8[%get3A_189] {strides = array<i32>} : memref<3088xi32, #tpu.memory_space<vmem>>, vector<16xi32>,
        %slice3A_191 = vector.extract_strided_slice %get3A_190 {offsets = [0], sizes = [1], strides = [1]} : vector<16xi32> to vector<1xi32>
        %squeeze3A_192 = vector.extract %slice3A_191[0] : i32 from vector<1xi32>
        %sub3A_193 = arith.constant 31232 : i32
        %sub3A_194 = arith.subi %squeeze3A_192, %sub3A_193 : i32
        %broadcast_in_dim3A = vector.broadcast %sub3A_194 : i32 to vector<16xi32>
        %mul3A_195 = arith.constant 16 : i32
        %mul3A_196 = arith.muli %squeeze3A, %mul3A_195 : i32
        %get3A_197 = arith.index_cast %mul3A_196 : i32 to index
        %get3A_198 = tpu.vector_load %arg9[%get3A_197] {strides = array<i32>} : memref<49152xf32, #tpu.memory_space<vmem>>, vector<16xf32>,
        tpu.vector_store_idx %arg15[%iota3A, %broadcast_in_dim3A], %get3A_198 {add = true} : memref<16x64xf32, #tpu.memory_space<vmem>>[vector<16xi32>, vector<16xi32>], vector<16xf32>,
        %while3A_199 = arith.constant 0 : i32
        scf.yield %while3A_199 : i32
      }
      %while3A_184 = arith.constant 1 : i32
      %while3A_185 = scf.for %while3A_186 = %while3A_181 to %while3A_177 step %while3A_184 iter_args(%while3A_187 = %while3A_183) -> (i32)  : i32 {
        %get3A = arith.index_cast %while3A_186 : i32 to index
        %get3A_188 = tpu.vector_load %arg10[%get3A] {strides = array<i32>} : memref<3088xi32, #tpu.memory_space<vmem>>, vector<16xi32>,
        %slice3A = vector.extract_strided_slice %get3A_188 {offsets = [0], sizes = [1], strides = [1]} : vector<16xi32> to vector<1xi32>
        %squeeze3A = vector.extract %slice3A[0] : i32 from vector<1xi32>
        %get3A_189 = arith.index_cast %squeeze3A : i32 to index
        %get3A_190 = tpu.vector_load %arg8[%get3A_189] {strides = array<i32>} : memref<3088xi32, #tpu.memory_space<vmem>>, vector<16xi32>,
        %slice3A_191 = vector.extract_strided_slice %get3A_190 {offsets = [0], sizes = [1], strides = [1]} : vector<16xi32> to vector<1xi32>
        %squeeze3A_192 = vector.extract %slice3A_191[0] : i32 from vector<1xi32>
        %sub3A_193 = arith.constant 31232 : i32
        %sub3A_194 = arith.subi %squeeze3A_192, %sub3A_193 : i32
        %broadcast_in_dim3A = vector.broadcast %sub3A_194 : i32 to vector<16xi32>
        %mul3A_195 = arith.constant 16 : i32
        %mul3A_196 = arith.muli %squeeze3A, %mul3A_195 : i32
        %get3A_197 = arith.index_cast %mul3A_196 : i32 to index
        %get3A_198 = tpu.vector_load %arg9[%get3A_197] {strides = array<i32>} : memref<49152xf32, #tpu.memory_space<vmem>>, vector<16xf32>,
        tpu.vector_store_idx %arg15[%iota3A, %broadcast_in_dim3A], %get3A_198 {add = true} : memref<16x64xf32, #tpu.memory_space<vmem>>[vector<16xi32>, vector<16xi32>], vector<16xf32>,
        %while3A_199 = arith.constant 0 : i32
        scf.yield %while3A_199 : i32
      }
      "tpu.region"() ({
        %run_scoped3A = tpu.sem_alloc : memref<!tpu.dma_semaphore, #tpu.memory_space<semaphore_mem>>
        %dma_start3A_186 = arith.constant 0 : i32
        %dma_start3A_187 = arith.constant 999936 : i32
        %dma_start3A_188 = tpu.memref_slice %arg5[%dma_start3A_186, %dma_start3A_187] : memref<16x1000000xf32, #tpu.memory_space<hbm>> -> memref<16x64xf32, #tpu.memory_space<hbm>>
        %dma_start3A_189 = arith.constant 0 : i32
        %dma_start3A_190 = arith.constant 999936 : i32
        %dma_start3A_191 = tpu.memref_slice %arg5[%dma_start3A_189, %dma_start3A_190] : memref<16x1000000xf32, #tpu.memory_space<hbm>> -> memref<16x64xf32, #tpu.memory_space<hbm>>
        tpu.enqueue_dma source(%arg15 : memref<16x64xf32, #tpu.memory_space<vmem>>) target(%dma_start3A_191 : memref<16x64xf32, #tpu.memory_space<hbm>>) target_semaphore(%run_scoped3A : memref<!tpu.dma_semaphore, #tpu.memory_space<semaphore_mem>>)
        %dma_wait3A_192 = arith.constant 0 : i32
        %dma_wait3A_193 = arith.constant 999936 : i32
        %dma_wait3A_194 = tpu.memref_slice %arg5[%dma_wait3A_192, %dma_wait3A_193] : memref<16x1000000xf32, #tpu.memory_space<hbm>> -> memref<16x64xf32, #tpu.memory_space<hbm>>
        %dma_wait3A_195 = arith.constant 0 : i32
        %dma_wait3A_196 = arith.constant 999936 : i32
        %dma_wait3A_197 = tpu.memref_slice %arg5[%dma_wait3A_195, %dma_wait3A_196] : memref<16x1000000xf32, #tpu.memory_space<hbm>> -> memref<16x64xf32, #tpu.memory_space<hbm>>
        tpu.wait_dma2 semaphore(%run_scoped3A : memref<!tpu.dma_semaphore, #tpu.memory_space<semaphore_mem>>) src(%arg15 : memref<16x64xf32, #tpu.memory_space<vmem>>) dst(%dma_wait3A_197 : memref<16x64xf32, #tpu.memory_space<hbm>>)
        tpu.yield
      }) : () -> ()
    } else {
    }
    return
  }
}

</mosaic_0001>

<sc_bundles>
// kernel: kernel.3.cloned.1.call-start
scs
__scs_entry_jumppad:
0x0: {  	(pc) =	sbr.rel $0x88, $3  }
0x1: {  	(tag) =	ssettag $0x0;
	lr =	simm.s32 $0x1  }
0x2: {  	[smem:$0x3F9E] =	sst lr;
	_ =	strace $0xD0000000  }
0x3: {  	_ = 	snop  }
0x4: {  	_ = 	snop  }
0x5: {  	_ = 	snop  }
0x6: {  	_ = 	snop  }
0x7: {  	_ = 	snop  }
__scs_overlays_trampoline_lowered:
0x8: {  	[smem:$0x3FAD] =	sst s0  }
0x9: {  	[smem:$0x3FAE] =	sst s1  }
0xa: {  	[smem:$0x3FAF] =	sst s2  }
0xb: {  	[smem:$0x3FB0] =	sst s3  }
0xc: {  	[smem:$0x3FB1] =	sst s4  }
0xd: {  	[smem:$0x3FB2] =	sst s5  }
0xe: {  	[smem:$0x3FB3] =	sst s6  }
0xf: {  	[smem:$0x3FB4] =	sst s7  }
0x10: {  	[smem:$0x3FB5] =	sst s8  }
0x11: {  	[smem:$0x3FB6] =	sst s9;
	s0 =	simm.s32 @!p0 $0x0  }
0x12: {  	s1 =	sld [smem:$0x3F9C];
	s0 =	simm.s32 @p0 $0x1  }
0x13: {  	[smem:$0x3FB7] =	sst s0;
	s0 =	simm.s32 @!p1 $0x0  }
0x14: {  	s2 =	sld [smem:$0x3F9B];
	s0 =	simm.s32 @p1 $0x1  }
0x15: {  	[smem:$0x3FB8] =	sst s0;
	s0 =	simm.s32 @!p2 $0x0  }
0x16: {  	s3 =	sld [smem:$0x3FDB];
	s0 =	simm.s32 @p2 $0x1  }
0x17: {  	s4 =	simm.s32 $0x1BF5;
	[smem:$0x3FBA] =	sst s0  }
0x18: {  	s0 =	sld [smem:$0x3F9D];
	_ =	swait.ge [sflag:s4], $0x0  }
0x19: {  	s7 =	sld [smem:$0x3F9E]  }
0x1a: {  	s8 =	sadd.s32 $0xFFFFE003, lr  }
0x1b: {  	s9 =	sadd.s32 $0xFFFFFEF7, lr;
	s5 =	simm.s32 $0xFFFFFFFF;
	p2 =	slt.u32 s8, $0xFFFFF086  }
0x1c: {  	p1 =	slt.u32 s9, $0xF7A;
	s5 =	simm.s32 @!p2 $0x0  }
0x1d: {  	s5 =	simm.s32 @p1 $0x1;
	p0 =	seq.s32 s7, s2  }
0x1e: {  	s7 =	smul.u32 @!p0 $0xF7A, s2;
	p2 =	seq.s32 @!p0 s5, $0x0  }
0x1f: {  	s9 =	smul.u32 $0xF7A, s1;
	s8 =	simm.s32 @!p0 $0x1BF5;
	p2 =	por !p2, p0  }
0x20: {  	[sflag:s8] =	ssyncset.s32 @!p0 $0xFFFFF086;
	s6 =	sadd.s32 @!p0 s3, s7;
	s7 =	simm.s32 @!p0 $0x108  }
0x21: {  	s3 =	sadd.s32 s3, s9;
	s6 =	sadd.s32 @!p0 $0x88, s6;
	s7 =	simm.s32 @p2 $0x1082  }
0x22: {  	[simem:s7], [sflag:s8] =	dma.local @!p0 [hbm:s6], $0xF7A  }
0x23: {  	s9 =	sor.u32 $0xD0000000, s2;
	s6 =	simm.s32 $0x108;
	_ =	swait.ge @!p0 [sflag:s8], $0x0  }
0x24: {  	s3 =	sadd.s32 $0x88, s3;
	s6 =	simm.s32 @!p1 $0x1082;
	[sflag:s4] =	ssyncset.s32 $0xFFFFF086  }
0x25: {  	[simem:s6], [sflag:s4] =	dma.local [hbm:s3], $0xF7A  }
0x26: {  	[smem:$0x3F9E] =	sst s1;
	(tag) =	ssettag s2;
	_ =	strace s9  }
0x27: {  	s1 =	sld [smem:$0x3FAE]  }
0x28: {  	s2 =	sld [smem:$0x3FAF]  }
0x29: {  	s4 =	sld [smem:$0x3FB1]  }
0x2a: {  	p0 =	seq.s32 s5, $0x0;
	s5 =	sld [smem:$0x3FB2]  }
0x2b: {  	s6 =	sld [smem:$0x3FB3]  }
0x2c: {  	s7 =	sld [smem:$0x3FB4]  }
0x2d: {  	s3 =	simm.s32 $0x108;
	s8 =	sld [smem:$0x3FB5]  }
0x2e: {  	s3 =	simm.s32 @!p0 $0x1082;
	s9 =	sld [smem:$0x3FB6]  }
0x2f: {  	lr =	sadd.s32 s0, s3;
	s0 =	sld [smem:$0x3FAD]  }
0x30: {  	s3 =	sld [smem:$0x3FB0]  }
0x31: {  	[smem:$0x3FB9] =	sst s10  }
0x32: {  	s10 =	sld [smem:$0x3FB7];
	_ =	sdelay $0x3  }
0x33: {  	p0 =	seq.s32 s10, $0x1;
	s10 =	sld [smem:$0x3FB9];
	_ =	sdelay $0x3  }
0x34: {  	[smem:$0x3FB9] =	sst s10  }
0x35: {  	s10 =	sld [smem:$0x3FB8];
	_ =	sdelay $0x3  }
0x36: {  	p1 =	seq.s32 s10, $0x1;
	s10 =	sld [smem:$0x3FB9];
	_ =	sdelay $0x3  }
0x37: {  	[smem:$0x3FB9] =	sst s10  }
0x38: {  	s10 =	sld [smem:$0x3FBA]  }
0x39: {  	_ = 	snop;
	(pc) =	sbr.ind lr, $3  }
0x3a: {  	_ = 	snop  }
0x3b: {  	_ = 	snop  }
0x3c: {  	p2 =	seq.s32 s10, $0x1;
	s10 =	sld [smem:$0x3FB9]  }
0x3d: {  	_ =	shalt  }
0x3e: {  	_ =	shalt  }
0x3f: {  	_ =	shalt  }
0x40: {  	_ =	shalt  }
0x41: {  	_ =	shalt  }
0x42: {  	_ =	shalt  }
0x43: {  	_ =	shalt  }
0x44: {  	_ =	shalt  }
0x45: {  	_ =	shalt  }
0x46: {  	_ =	shalt  }
0x47: {  	_ =	shalt  }
0x48: {  	_ =	shalt  }
0x49: {  	_ =	shalt  }
0x4a: {  	_ =	shalt  }
0x4b: {  	_ =	shalt  }
0x4c: {  	_ =	shalt  }
0x4d: {  	_ =	shalt  }
0x4e: {  	_ =	shalt  }
0x4f: {  	_ =	shalt  }
0x50: {  	_ =	shalt  }
0x51: {  	_ =	shalt  }
0x52: {  	_ =	shalt  }
0x53: {  	_ =	shalt  }
0x54: {  	_ =	shalt  }
0x55: {  	_ =	shalt  }
0x56: {  	_ =	shalt  }
0x57: {  	_ =	shalt  }
0x58: {  	_ =	shalt  }
0x59: {  	_ =	shalt  }
0x5a: {  	_ =	shalt  }
0x5b: {  	_ =	shalt  }
0x5c: {  	_ =	shalt  }
0x5d: {  	_ =	shalt  }
0x5e: {  	_ =	shalt  }
0x5f: {  	_ =	shalt  }
0x60: {  	_ =	shalt  }
0x61: {  	_ =	shalt  }
0x62: {  	_ =	shalt  }
0x63: {  	_ =	shalt  }
0x64: {  	_ =	shalt  }
0x65: {  	_ =	shalt  }
0x66: {  	_ =	shalt  }
0x67: {  	_ =	shalt  }
0x68: {  	_ =	shalt  }
0x69: {  	_ =	shalt  }
0x6a: {  	_ =	shalt  }
0x6b: {  	_ =	shalt  }
0x6c: {  	_ =	shalt  }
0x6d: {  	_ =	shalt  }
0x6e: {  	_ =	shalt  }
0x6f: {  	_ =	shalt  }
0x70: {  	_ =	shalt  }
0x71: {  	_ =	shalt  }
0x72: {  	_ =	shalt  }
0x73: {  	_ =	shalt  }
0x74: {  	_ =	shalt  }
0x75: {  	_ =	shalt  }
0x76: {  	_ =	shalt  }
0x77: {  	_ =	shalt  }
0x78: {  	_ =	shalt  }
0x79: {  	_ =	shalt  }
0x7a: {  	_ =	shalt  }
0x7b: {  	_ =	shalt  }
0x7c: {  	_ =	shalt  }
0x7d: {  	_ =	shalt  }
0x7e: {  	_ =	shalt  }
0x7f: {  	_ =	shalt  }
0x80: {  	_ =	shalt  }
0x81: {  	_ =	shalt  }
0x82: {  	_ =	shalt  }
0x83: {  	_ =	shalt  }
0x84: {  	_ =	shalt  }
0x85: {  	_ =	shalt  }
0x86: {  	_ =	shalt  }
0x87: {  	_ =	shalt  }
.Lfunc_end0:
.L_simem_size_0:
called_computation_lowered:
.L_overlay_start_0:
0x88: {  	s2 =	sld [smem:$0x3FD9]  }
0x89: {  	s3 =	sld [smem:$0x3FFE];
	_ =	sdelay $0x1  }
0x8a: {  	s1 =	srdreg.scid  }
0x8b: {  	s0 =	sand.u32 $0x1, s1  }
0x8c: {  	s17 =	sshll.u32 s0, $0xA;
	s2 =	sadd.s32 s3, s2  }
0x8d: {  	s2 =	sadd.s32 s2, s17  }
0x8e: {  	[smem:$0x3FC5] =	sst s2  }
0x8f: {  	_ = 	snop  }
0x90: {  	s2 =	sld [smem:$0x3FC9]  }
0x91: {  	s18 =	sld [smem:$0x3FC7]  }
0x92: {  	s4 =	sld [smem:$0x3FD0];
	(tm) =	ssettm $0x1  }
0x93: {  	s5 =	sld [smem:$0x3FFB];
	_ =	sdelay $0x3  }
0x94: {  	_ =	strace s5  }
0x95: {  	s5 =	sld [smem:$0x3FFC];
	_ =	sdelay $0x3  }
0x96: {  	_ =	strace s5  }
0x97: {  	s5 =	sld [smem:$0x3FFD];
	_ =	sdelay $0x3  }
0x98: {  	_ =	strace s5  }
0x99: {  	_ =	strace $0x8FFFFFFF  }
0x9a: {  	s19 =	sld [smem:$0x3FDB];
	_ =	sdelay $0x1  }
0x9b: {  	s6 =	simm.s32 $_scs_section_size  }
0x9c: {  	s7 =	simm.s32 $_size__tile_overlayer_lowered;
	s8 =	simm.s32 $_tile_overlayer_lowered  }
0x9d: {  	s22 =	simm.s32 $0x1BFF;
	s21 =	sshll.u32 s8, $0x1;
	s5 =	sadd.s32 s6, s19  }
0x9e: {  	s9 =	simm.s32 $0x0;
	s20 =	sshll.u32 s7, $0x1;
	s7 =	sadd.s32 s21, s5  }
0x9f: {  	[timem:s9], [sflag:s22] =	dma.local [hbm:s7], s20  }
0xa0: {  	_ =	swait.ge [sflag:s22], s20  }
0xa1: {  	s6 =	ssub.s32 $0x0, s20;
	[sflag:s22] =	ssyncset.done $0x0  }
0xa2: {  	[sflag:s22] =	ssyncadd.s32 s6;
	_ =	sdelay $0x1  }
0xa3: {  	s23 =	simm.s32 $0x1B8B  }
0xa4: {  	_ =	swait.ge [sflag:s23], $0x1  }
0xa5: {  	[sflag:s23] =	ssyncset.done $0x0  }
0xa6: {  	s25 =	simm.s32 $0x1B8E;
	s24 =	sld [smem:$0x3FFE];
	[sflag:s23] =	ssyncadd.s32 $0xFFFFFFFF  }
0xa7: {  	s26 =	simm.s32 $execute0_lowered;
	[smem:$0x3FD2] =	sst s25  }
0xa8: {  	s7 =	sshll.u32 s26, $0x1;
	_ =	strace $0x80000046;
	[dreg:$0x1] =	wrdreg $0xFFFFFFFF  }
0xa9: {  	s28 =	simm.s32 $_size_execute0_lowered;
	s5 =	sadd.s32 s5, s7;
	[dreg:$0x0] =	wrdreg $0x0  }
0xaa: {  	s7 =	sshll.u32 s28, $0x1;
	[dreg:$0x2] =	wrdreg s5  }
0xab: {  	[dreg:$0x3] =	wrdreg s7  }
0xac: {  	[dreg:$0x4] =	wrdreg $0xC0  }
0xad: {  	_ =	task [dreg:s9], $0x5FFFF  }
0xae: {  	[dreg:$0x1] =	wrdreg $0xFFFFFFFF  }
0xaf: {  	[dreg:$0x0] =	wrdreg $0x60  }
0xb0: {  	[dreg:$0x2] =	wrdreg s2  }
0xb1: {  	[dreg:$0x3] =	wrdreg s24  }
0xb2: {  	[dreg:$0x4] =	wrdreg s18  }
0xb3: {  	[dreg:$0x5] =	wrdreg s4  }
0xb4: {  	[dreg:$0x6] =	wrdreg $0x9  }
0xb5: {  	_ =	task.clear_ibuf [dreg:s9], $0x7FFFF;
	_ =	strace $0x90000046  }
0xb6: {  	s29 =	simm.s32 $0x9;
	_ =	strace $0x80000048  }
0xb7: {  	_ =	swait.ge [sflag:s29], $0x1  }
0xb8: {  	[sflag:s29] =	ssyncadd.s32 $0xFFFFFFFF  }
0xb9: {  	_ =	strace $0x90000048  }
0xba: {  	_ =	sfence  }
0xbb: {  	s30 =	sld [smem:$0x0];
	_ =	sdelay $0x2  }
0xbc: {  	s31 =	sshll.u32 s1, $0xD;
	s1 =	sshrl.u32 s1, $0x2  }
0xbd: {  	s3 =	sand.u32 $0x4000, s31;
	s1 =	sadd.s32 s1, s30  }
0xbe: {  	s0 =	sor.u32 s3, s0;
	s1 =	sshll.u32 s1, $0x11  }
0xbf: {  	s0 =	sor.u32 s1, s0  }
0xc0: {  	s0 =	sadd.s32 $0x8F2B, s0  }
0xc1: {  	[sflag:s0] =	ssyncadd.remote.s32 $0x1  }
0xc2: {  	_ =	sfence.sel $0xFFFF  }
0xc3: {  	[dreg:$0x0] =	wrdreg $0xFFFFFFFF;
	(pc) =	sbr.abs _section_cstart, $3  }
0xc4: {  	[dreg:$0x1] =	wrdreg $0xFFFFFFFF  }
0xc5: {  	_ =	task.clear_ibuf [dreg:s9], $0x2FFFF;
	_ =	strace $0x9FFFFFFF  }
0xc6: {  	(tm) =	ssettm $0x7FFFFFFF  }
0xc7: {  	_ =	shalt  }
tec
execute0_lowered:
.L_overlay_start_1:
0x0: {  	(tag) =	ssettag $0x1  }
0x1: {  	s1 =	rddreg [dreg:$0x0]  }
0x2: {  	s2 =	rddreg [dreg:$0x1];
	s0 =	srdreg.scid  }
0x3: {  	s11 =	stileid.u32;
	s8 =	rddreg [dreg:$0x3];
	s5 =	simm.s32 $0x0  }
0x4: {  	v0 =	vimm.s32 $0x1380;
	vm0 =	vcmask $0x300;
	s7 =	simm.s32 $0x7A80;
	s13 =	simm.s32 $0x1000;
	s14 =	simm.s32 $0x7A1400  }
0x5: {  	s17 =	simm.s32 $0x8;
	s18 =	simm.s32 $0x4000;
	s19 =	simm.s32 $0x4C80;
	v0 =	vsel vm0, $0x0, v0;
	vm0 =	vcmask $0x704  }
0x6: {  	s20 =	simm.s32 $0x12580;
	s21 =	simm.s32 $0x80;
	s22 =	simm.s32 $0x7;
	v0 =	vsel vm0, $0x80, v0;
	vm0 =	vcmask $0xB08  }
0x7: {  	s23 =	simm.s32 $0x11900;
	s3 =	sand.u32 $0x1, s0;
	s24 =	sshll.u32 s11, $0x1;
	v0 =	vsel vm0, $0x100, v0;
	vm0 =	vcmask $0xF0C  }
0x8: {  	s28 =	simm.s32 $0x1DA00;
	s29 =	simm.s32 $0x0;
	s0 =	sor.u32 s3, s24;
	v0 =	vsel vm0, $0x180, v0;
	vm0 =	vcmask $0x1310  }
0x9: {  	[smem:$0x7FF] =	sst s5;
	p0 =	slt.u32 s11, $0x2;
	s4 =	smul.u32 $0xF4, s0;
	v0 =	vsel vm0, $0x200, v0;
	vm0 =	vcmask $0x1714  }
0xa: {  	s31 =	sadd.s32 $0xF4200, s8;
	_ =	strace $0x80000047;
	s25 =	smin.u32 s0, $0x4;
	v0 =	vsel vm0, $0x280, v0;
	vm0 =	vcmask $0x1B18  }
0xb: {  	s3 =	ssub.s32 $0x2, s3;
	s7 =	simm.s32 @!p0 $0x7A00;
	s5 =	sadd.s32 s25, s4;
	v0 =	vsel vm0, $0x300, v0;
	vm0 =	vcmask $0x1F1C  }
0xc: {  	[dreg:$0x8] =	wrdreg s31;
	s24 =	simm.s32 $0x4;
	s9 =	sshll.u32 s5, $0x7;
	v1 =	vsel vm0, $0x380, v0;
	vm0 =	vcmask $0x2320  }
0xd: {  	vm1 =	vcmask $0x2B28;
	s26 =	sshrl.u32 s3, $0x1;
	p0 =	seq.s32 s0, $0x4;
	s30 =	sadd.s32 s7, s9;
	v2 =	vsel vm0, $0x1000, v1;
	vm0 =	vcmask $0x2724  }
0xe: {  	p1 =	sne.s32 s0, $0x4;
	s4 =	sadd.s32 $0x400, s2;
	s2 =	ssub.s32 s3, s26;
	v0 =	vmov s9;
	v1 =	vmov s30;
	v2 =	vsel vm0, $0x1080, v2  }
.Ltmp0:
0xf: {  	s25 =	simm.s32 $0x400;
	s10 =	sadd.s32 $0x7A00, s9;
	vm0 =	vmxor vm0, vm0;
	v2 =	vsel vm1, $0x1100, v2;
	vm1 =	vcmask $0x2F2C;
	(pc) =	sbr.rel .LBB2_1-.Ltmp0, $4  }
0x10: {  	s26 =	simm.s32 $0x1D200;
	s5 =	sadd.s32 s1, s9;
	s12 =	sadd.s32 s1, s10;
	vm0 =	vmneg @p0 vm0;
	v3 =	vsel vm1, $0x1180, v2;
	vm1 =	vcmask $0x3330  }
0x11: {  	s7 =	sadd.s32 s8, s9;
	s10 =	sadd.s32 s8, s10;
	[dreg:$0x5] =	wrdreg s12;
	v2 =	vsub.s32 $0x0, v0;
	v4 =	vsel vm1, $0x1200, v3;
	vm1 =	vcmask $0x3734  }
0x12: {  	s6 =	sadd.s32 $0x200, s5;
	s1 =	sadd.s32 $0xF4200, s1;
	[dreg:$0x6] =	wrdreg s10;
	v3 =	vlaneseq.u32;
	v5 =	vsel vm1, $0x1280, v4;
	vm1 =	vcmask $0x3B38  }
0x13: {  	[dreg:$0x7] =	wrdreg s1;
	s12 =	smax.u32 s2, $0x1;
	p0 =	sgt.u32 s11, $0x1;
	v4 =	vimm.s32 $0x0;
	v6 =	vmul.u32 $0x80, v3;
	v5 =	vsel vm1, $0x1300, v5  }
.LBB2_47:
0x14: {  	(v2sf) =	vpush v7, $0x0;
	_ =	sdelay $0xe  }
0x15: {  	s0 =	spop (v2sf)  }
0x16: {  	v7 =	vld [tilespmem:s0+$0x4C80];
	_ =	sdelay $0x4  }
0x17: {  	(v2sf) =	vpush v7, $0x0;
	_ =	sdelay $0xe  }
0x18: {  	s0 =	sshll.u32 s0, $0x6;
	s1 =	spop (v2sf)  }
0x19: {  	s0 =	sshra.s32 s0, $0x2;
	s1 =	sadd.s32 $0xFFFF8600, s1  }
0x1a: {  	v7 =	vld [tilespmem:s0+$0x5900];
	v8 =	vadd.s32 s1, v6;
	_ =	sdelay $0x4  }
0x1b: {  	[tilespmem:v8+s28+$0x0] =	vst.idx.add.f32.msk $0xffff, v7  }
.LBB2_48:
0x1c: {  	s0 =	rddreg [dreg:$0x8]  }
0x1d: {  	[hbm4b:s0+s25] =	stream.strided.scatter [tilespmem:s28], [sflag:$0x8], $0x800, s14, s25, $0x38;
	[tilespmem:$0x1E200] =	vst v63  }
0x1e: {  	_ =	swait.ge [sflag:s17], $0x800  }
0x1f: {  	[sflag:s17] =	ssyncset.done $0x0  }
0x20: {  	[sflag:s17] =	ssyncadd.s32 $0xFFFFF800  }
.LBB2_49:
0x21: {  	s29 =	sadd.s32 $0x1, s29  }
0x22: {  	p2 =	sne.s32 s29, s12  }
.Ltmp1:
0x23: {  	_ = 	snop;
	(pc) =	sbr.rel @!p2 .LBB2_50-.Ltmp1, $1  }
0x24: {  	_ =	sdelay $0x3  }
.LBB2_1:
0x25: {  	s0 =	simm.s32 $0x17200  }
0x26: {  	[tilespmem:s0], [sflag:$0x1] =	stream.strided.gather [hbm4b:s5+s13], $0x2000, s14, s13, $0x38;
	[tilespmem:$0x1E200] =	vst v63  }
0x27: {  	s30 =	simm.s32 $0x19200  }
0x28: {  	[tilespmem:s30], [sflag:$0x2] =	stream.strided.gather [hbm4b:s6+s13], $0x2000, s14, s13, $0x38;
	[tilespmem:$0x1E200] =	vst v63  }
0x29: {  	s31 =	rddreg [dreg:$0x2];
	s1 =	simm.s32 $0x0  }
0x2a: {  	[tilespmem:s1], [sflag:$0x8] =	stream.linear.gather [hbm4b:s31+s1], $0x4000, $0x38;
	[tilespmem:$0x1E200] =	vst v63  }
0x2b: {  	_ =	swait.ge [sflag:s17], $0x4000  }
0x2c: {  	[sflag:s17] =	ssyncset.done $0x0  }
0x2d: {  	s0 =	simm.s32 $0x0;
	[sflag:s17] =	ssyncadd.s32 $0xFFFFC000  }
.LBB2_2:
0x2e: {  	p2 =	sne.s32 s0, $0x31C0  }
.Ltmp2:
0x2f: {  	_ = 	snop;
	(pc) =	sbr.rel @p2 .LBB2_2-.Ltmp2, $3  }
0x30: {  	_ =	sdelay $0x1  }
0x31: {  	s1 =	sshra.s32 s0, $0x2  }
0x32: {  	s0 =	sadd.s32 $0x40, s0;
	[tilespmem:s1+$0x12580] =	vst v4  }
0x33: {  	s0 =	simm.s32 $0x0  }
0x34: {  	v7 =	vld [tilespmem:s0+$0x0];
	_ =	sdelay $0x4  }
0x35: {  	vm1 =	vge.s32 v7, v0;
	vm2 =	vlt.s32 v7, v1;
	vm3 =	vgt.s32 v7, $0xF41FF  }
0x36: {  	vm1 =	vmand vm1, vm2;
	vm2 =	vmand vm0, vm3  }
0x37: {  	vm1 =	vmor vm1, vm2  }
0x38: {  	v8 =	vsel vm1, $0x1, v4  }
0x39: {  	(xrf0) =	vadd.scan.msk.s32 $0xffff, v8  }
0x3a: {  	p2 =	por $0x1, $0x1;
	s1 =	simm.s32 $0x0  }
0x3b: {  	s1 =	simm.s32 @!p2 $0xC00  }
0x3c: {  	v8 =	vmov s1  }
0x3d: {  	v8 =	vadd.s32 $0xFFFFFFFF, v8  }
0x3e: {  	v8 =	vbroadcast v8, $0x0  }
0x3f: {  	v9, _, _ =	vpop (xrf0)  }
0x40: {  	v8 =	vadd.s32 v9, v8;
	(v2sf) =	vpush v9, $0xF;
	_ =	sdelay $0x3  }
0x41: {  	v10 =	vor.u32 s0, v3;
	v9 =	vsel vm2, $0xFFF13800, v2  }
0x42: {  	v7 =	vadd.s32 v7, v9;
	[tilespmem:v8+s18+$0x0] =	vst.idx.msk vm1, v10  }
0x43: {  	[tilespmem:v8+s19+$0x0] =	vst.idx.msk vm1, v7;
	v7 =	vshrl.u32 v10, $0x3  }
0x44: {  	s1 =	simm.s32 $0x10;
	[tilespmem:v8+s20+$0x0] =	vst.idx.msk vm1, v7  }
0x45: {  	v7 =	vld [tilespmem:s1+$0x0];
	_ =	sdelay $0x4  }
0x46: {  	vm1 =	vge.s32 v7, v0;
	vm2 =	vlt.s32 v7, v1;
	vm3 =	vgt.s32 v7, $0xF41FF  }
0x47: {  	vm1 =	vmand vm1, vm2;
	vm2 =	vmand vm0, vm3  }
0x48: {  	s2 =	simm.s32 $0x20;
	s3 =	simm.s32 $0x10;
	vm1 =	vmor vm1, vm2;
	v8 =	vsel vm2, $0xFFF13800, v2;
	s8 =	spop (v2sf)  }
.LBB2_4:
0x49: {  	p2 =	sne.s32 s2, $0x3FF0  }
0x4a: {  	v9 =	vsel vm1, $0x1, v4;
	s0 =	sadd.s32 s0, s8;
	s8 =	smov.u32 s2;
	s2 =	sadd.s32 $0x10, s2  }
0x4b: {  	p3 =	slt.s32 s0, $0xC00;
	(xrf0) =	vadd.scan.msk.s32 $0xffff, v9;
	s9 =	smov.u32 s0  }
0x4c: {  	s9 =	simm.s32 @!p3 $0xC00  }
0x4d: {  	v9 =	vmov s9  }
0x4e: {  	v9 =	vadd.s32 $0xFFFFFFFF, v9;
	_ =	sdelay $0x1  }
0x4f: {  	v9 =	vbroadcast v9, $0x0  }
0x50: {  	v10, _, _ =	vpop (xrf0)  }
0x51: {  	v9 =	vadd.s32 v10, v9;
	(v2sf) =	vpush v10, $0xF;
	_ =	sdelay $0x3  }
0x52: {  	v10 =	vor.u32 s1, v3;
	s1 =	smov.u32 s8  }
0x53: {  	v7 =	vadd.s32 v7, v8;
	[tilespmem:v9+s18+$0x0] =	vst.idx.msk vm1, v10  }
0x54: {  	[tilespmem:v9+s19+$0x0] =	vst.idx.msk vm1, v7;
	v7 =	vshrl.u32 v10, $0x3  }
0x55: {  	s3 =	sadd.s32 $0x10, s3;
	[tilespmem:v9+s20+$0x0] =	vst.idx.msk vm1, v7  }
0x56: {  	v7 =	vld [tilespmem:s3+$0x0];
	_ =	sdelay $0x2  }
.Ltmp3:
0x57: {  	(pc) =	sbr.rel @p2 .LBB2_4-.Ltmp3, $4  }
0x58: {  	_ = 	snop  }
0x59: {  	vm1 =	vge.s32 v7, v0;
	vm2 =	vlt.s32 v7, v1;
	vm3 =	vgt.s32 v7, $0xF41FF  }
0x5a: {  	vm1 =	vmand vm1, vm2;
	vm2 =	vmand vm0, vm3  }
0x5b: {  	vm1 =	vmor vm1, vm2;
	v8 =	vsel vm2, $0xFFF13800, v2;
	s8 =	spop (v2sf)  }
0x5c: {  	v9 =	vsel vm1, $0x1, v4  }
0x5d: {  	(xrf0) =	vadd.scan.msk.s32 $0xffff, v9;
	_ =	sdelay $0x5  }
0x5e: {  	v9, _, _ =	vpop (xrf0)  }
0x5f: {  	(v2sf) =	vpush v9, $0xF;
	_ =	sdelay $0xd  }
0x60: {  	s0 =	sadd.s32 s0, s8  }
0x61: {  	p2 =	slt.s32 s0, $0xC00;
	s2 =	smov.u32 s0;
	s3 =	spop (v2sf)  }
0x62: {  	s2 =	simm.s32 @!p2 $0xC00;
	s30 =	sadd.s32 s0, s3  }
0x63: {  	v10 =	vmov s2;
	p2 =	slt.s32 s30, $0xC00;
	s2 =	smov.u32 s30  }
0x64: {  	s2 =	simm.s32 @!p2 $0xC00  }
0x65: {  	s15 =	sadd.s32 $0x7F, s2  }
0x66: {  	s16 =	sand.u32 $0x7F, s15  }
0x67: {  	v10 =	vadd.s32 $0xFFFFFFFF, v10;
	p3 =	slt.s32 s30, $0xFFFFFF82;
	s31 =	sshra.s32 s15, $0x1F;
	p6 =	sne.s32 s16, $0x0  }
0x68: {  	v10 =	vbroadcast v10, $0x0;
	s3 =	sshrl.u32 s31, $0x19;
	p2 =	por !p3, !p6  }
0x69: {  	s0 =	sadd.s32 s3, s15;
	s3 =	simm.s32 $0x1;
	p2 =	por !p2, !p2  }
0x6a: {  	v9 =	vadd.s32 v9, v10;
	s0 =	sshra.s32 s0, $0x7;
	s3 =	simm.s32 @!p2 $0x0  }
0x6b: {  	s0 =	ssub.s32 s0, s3  }
0x6c: {  	p2 =	sgt.s32 s0, $0x0  }
.Ltmp4:
0x6d: {  	_ = 	snop;
	(pc) =	sbr.rel @!p2 .LBB2_10-.Ltmp4, $4  }
0x6e: {  	v63 =	vor.u32 s1, v3  }
0x6f: {  	v7 =	vadd.s32 v7, v8;
	[tilespmem:v9+s18+$0x0] =	vst.idx.msk vm1, v63  }
0x70: {  	[tilespmem:v9+s19+$0x0] =	vst.idx.msk vm1, v7;
	v7 =	vshrl.u32 v63, $0x3  }
0x71: {  	[tilespmem:v9+s20+$0x0] =	vst.idx.msk vm1, v7  }
0x72: {  	s1 =	simm.s32 $0x0;
	s3 =	simm.s32 $0x5900;
	s15 =	simm.s32 $0x4000  }
.LBB2_7:
0x73: {  	s8 =	sshll.u32 s1, $0x9  }
0x74: {  	s8 =	sshra.s32 s8, $0x2  }
0x75: {  	s16 =	simm.s32 $0x13200;
	v7 =	vmov s15;
	s8 =	sadd.s32 $0x12580, s8  }
0x76: {  	[tilespmem:s16], [sflag:$0x7] =	stream.indirect.gather [hbm4b:s4+s21], $0x80, s8, s21, $0xb8;
	[tilespmem:$0x1E200] =	vst v63  }
0x77: {  	_ =	swait.ge [sflag:s22], $0x4000  }
0x78: {  	[sflag:s22] =	ssyncset.done $0x0  }
0x79: {  	s10 =	simm.s32 $0x0;
	[sflag:s22] =	ssyncadd.s32 $0xFFFFC000  }
0x7a: {  	v8 =	vld.idx.msk [tilespmem:v7+s10+$0x0 ss:$0x1], $0xffff;
	_ =	sdelay $0x4  }
0x7b: {  	(v2sf) =	vpush v8, $0x0;
	_ =	sdelay $0xe  }
0x7c: {  	s11 =	spop (v2sf)  }
0x7d: {  	s8 =	sand.u32 $0x7, s11  }
0x7e: {  	s8 =	sshll.u32 s8, $0x4  }
0x7f: {  	s8 =	sadd.s32 $0x13200, s8  }
0x80: {  	v8 =	vld [tilespmem:s8+$0x0];
	_ =	sdelay $0x4  }
0x81: {  	s9 =	simm.s32 $0x1;
	s31 =	smov.u32 s3;
	s8 =	simm.s32 $0x8;
	[tilespmem:s3+$0x0] =	vst v8  }
.LBB2_8:
0x82: {  	p2 =	sne.s32 s8, $0x1FC;
	v8 =	vld.idx.msk [tilespmem:v7+s9+$0x0 ss:$0x1], $0xffff;
	_ =	sdelay $0x5  }
0x83: {  	(v2sf) =	vpush v8, $0x0;
	_ =	sdelay $0xe  }
0x84: {  	s9 =	spop (v2sf)  }
0x85: {  	s9 =	sand.u32 $0x7, s9  }
0x86: {  	s16 =	sadd.s32 $0x80, s16;
	s9 =	sshll.u32 s9, $0x4  }
0x87: {  	s9 =	sadd.s32 s9, s16  }
0x88: {  	v8 =	vld [tilespmem:s9+$0x0]  }
.Ltmp5:
0x89: {  	(pc) =	sbr.rel @p2 .LBB2_8-.Ltmp5, $3  }
0x8a: {  	_ =	sdelay $0x1  }
0x8b: {  	s31 =	sadd.s32 $0x10, s31  }
0x8c: {  	s9 =	sshra.s32 s8, $0x2;
	s8 =	sadd.s32 $0x4, s8;
	[tilespmem:s31+$0x0] =	vst v8  }
0x8d: {  	_ =	sdelay $0x3  }
0x8e: {  	v7 =	vld.idx.msk [tilespmem:v7+s9+$0x0 ss:$0x1], $0xffff;
	_ =	sdelay $0x4  }
0x8f: {  	(v2sf) =	vpush v7, $0x0;
	_ =	sdelay $0xe  }
0x90: {  	s8 =	spop (v2sf)  }
0x91: {  	s8 =	sand.u32 $0x7, s8  }
0x92: {  	s16 =	sadd.s32 $0x80, s16;
	s8 =	sshll.u32 s8, $0x4  }
0x93: {  	s1 =	sadd.s32 $0x1, s1;
	s8 =	sadd.s32 s8, s16  }
0x94: {  	p2 =	seq.s32 s1, s0;
	v7 =	vld [tilespmem:s8+$0x0]  }
.Ltmp6:
0x95: {  	_ = 	snop;
	(pc) =	sbr.rel @!p2 .LBB2_7-.Ltmp6, $3  }
0x96: {  	_ =	sdelay $0x1  }
0x97: {  	s31 =	sadd.s32 $0x10, s31  }
0x98: {  	s3 =	sadd.s32 $0x800, s3;
	s15 =	sadd.s32 $0x80, s15;
	[tilespmem:s31+$0x0] =	vst v7  }
.LBB2_10:
0x99: {  	p2 =	sgt.s32 s30, $0x0  }
.Ltmp7:
0x9a: {  	_ = 	snop;
	(pc) =	sbr.rel @!p2 .LBB2_14-.Ltmp7, $2  }
0x9b: {  	_ =	sdelay $0x2  }
0x9c: {  	s0 =	simm.s32 $0x5900  }
0x9d: {  	p2 =	sne.s32 s2, $0x1  }
.Ltmp8:
0x9e: {  	_ = 	snop;
	(pc) =	sbr.rel @!p2 .LBB2_13-.Ltmp8, $2  }
0x9f: {  	_ =	sdelay $0x2  }
0xa0: {  	v7 =	vld [tilespmem:s0+$0x0];
	s1 =	sadd.s32 $0xFFFFFFFF, s2  }
.LBB2_12:
0xa1: {  	p2 =	sne.s32 s1, $0x1;
	_ =	sdelay $0x3  }
0xa2: {  	v8 =	vmul.f32 v7, v7;
	_ =	sdelay $0x1  }
0xa3: {  	(xrf2) =	vadd.scan.msk.f32 $0xffff, v8;
	_ =	sdelay $0x9  }
0xa4: {  	v8, _, _ =	vpop (xrf2)  }
0xa5: {  	v8 =	vmax.f32 v8, $1.000000020e-24  }
0xa6: {  	v8 =	vbroadcast v8, $0xF;
	_ =	sdelay $0x1  }
0xa7: {  	v9 =	vshra.s32 v8, $0x1;
	v8 =	vmul.f32 $5.000000000e-01, v8  }
0xa8: {  	v9 =	vsub.s32 $0x5F3759DF, v9  }
0xa9: {  	v10 =	vmul.f32 v9, v8;
	_ =	sdelay $0x1  }
0xaa: {  	v10 =	vmul.f32 v9, v10;
	_ =	sdelay $0x1  }
0xab: {  	v10 =	vsub.f32 $1.500000000e+00, v10;
	_ =	sdelay $0x1  }
0xac: {  	v9 =	vmul.f32 v9, v10;
	_ =	sdelay $0x1  }
0xad: {  	v10 =	vmul.f32 v9, v8;
	_ =	sdelay $0x1  }
0xae: {  	v10 =	vmul.f32 v10, v9;
	_ =	sdelay $0x1  }
0xaf: {  	v10 =	vsub.f32 $1.500000000e+00, v10;
	_ =	sdelay $0x1  }
0xb0: {  	v9 =	vmul.f32 v10, v9;
	_ =	sdelay $0x1  }
0xb1: {  	v8 =	vmul.f32 v9, v8;
	_ =	sdelay $0x1  }
0xb2: {  	v8 =	vmul.f32 v8, v9;
	_ =	sdelay $0x1  }
0xb3: {  	v8 =	vsub.f32 $1.500000000e+00, v8;
	_ =	sdelay $0x1  }
0xb4: {  	v8 =	vmul.f32 v8, v9;
	_ =	sdelay $0x1  }
0xb5: {  	v8 =	vmin.f32 v8, $1.000000000e+00  }
0xb6: {  	v8 =	vmul.f32 $-9.999999770e-03, v8  }
.Ltmp9:
0xb7: {  	(pc) =	sbr.rel @p2 .LBB2_12-.Ltmp9, $3  }
0xb8: {  	v7 =	vmul.f32 v8, v7;
	_ =	sdelay $0x1  }
0xb9: {  	[tilespmem:s0+$0x0] =	vst v7;
	s0 =	sadd.s32 $0x10, s0  }
0xba: {  	s1 =	sadd.s32 $0xFFFFFFFF, s1;
	v7 =	vld [tilespmem:s0+$0x0]  }
.LBB2_13:
0xbb: {  	_ =	sdelay $0x3  }
0xbc: {  	v8 =	vmul.f32 v7, v7;
	_ =	sdelay $0x1  }
0xbd: {  	(xrf2) =	vadd.scan.msk.f32 $0xffff, v8;
	_ =	sdelay $0x9  }
0xbe: {  	v8, _, _ =	vpop (xrf2)  }
0xbf: {  	v8 =	vmax.f32 v8, $1.000000020e-24  }
0xc0: {  	v8 =	vbroadcast v8, $0xF;
	_ =	sdelay $0x1  }
0xc1: {  	v9 =	vshra.s32 v8, $0x1;
	v8 =	vmul.f32 $5.000000000e-01, v8  }
0xc2: {  	v9 =	vsub.s32 $0x5F3759DF, v9  }
0xc3: {  	v10 =	vmul.f32 v9, v8;
	_ =	sdelay $0x1  }
0xc4: {  	v10 =	vmul.f32 v9, v10;
	_ =	sdelay $0x1  }
0xc5: {  	v10 =	vsub.f32 $1.500000000e+00, v10;
	_ =	sdelay $0x1  }
0xc6: {  	v9 =	vmul.f32 v9, v10;
	_ =	sdelay $0x1  }
0xc7: {  	v10 =	vmul.f32 v9, v8;
	_ =	sdelay $0x1  }
0xc8: {  	v10 =	vmul.f32 v10, v9;
	_ =	sdelay $0x1  }
0xc9: {  	v10 =	vsub.f32 $1.500000000e+00, v10;
	_ =	sdelay $0x1  }
0xca: {  	v9 =	vmul.f32 v10, v9;
	_ =	sdelay $0x1  }
0xcb: {  	v8 =	vmul.f32 v9, v8;
	_ =	sdelay $0x1  }
0xcc: {  	v8 =	vmul.f32 v8, v9;
	_ =	sdelay $0x1  }
0xcd: {  	v8 =	vsub.f32 $1.500000000e+00, v8;
	_ =	sdelay $0x1  }
0xce: {  	v8 =	vmul.f32 v8, v9;
	_ =	sdelay $0x1  }
0xcf: {  	v8 =	vmin.f32 v8, $1.000000000e+00  }
0xd0: {  	v8 =	vmul.f32 $-9.999999770e-03, v8;
	_ =	sdelay $0x1  }
0xd1: {  	v7 =	vmul.f32 v8, v7;
	_ =	sdelay $0x1  }
0xd2: {  	[tilespmem:s0+$0x0] =	vst v7  }
.LBB2_14:
0xd3: {  	s0 =	sadd.s32 $0xF, s2  }
0xd4: {  	s1 =	sand.u32 $0xF, s0  }
0xd5: {  	p2 =	slt.s32 s30, $0xFFFFFFF2;
	s3 =	sshra.s32 s0, $0x1F;
	p3 =	sne.s32 s1, $0x0  }
.Ltmp10:
0xd6: {  	s16 =	sshrl.u32 s3, $0x1C;
	p2 =	por !p2, !p3;
	(pc) =	sbr.rel .LBB2_15-.Ltmp10, $4  }
0xd7: {  	s1 =	simm.s32 $0x1;
	s0 =	sadd.s32 s16, s0;
	p2 =	por !p2, !p2  }
0xd8: {  	s0 =	sshra.s32 s0, $0x4;
	s1 =	simm.s32 @!p2 $0x0  }
0xd9: {  	s30 =	ssub.s32 s0, s1  }
0xda: {  	v7 =	vmov s2;
	s31 =	simm.s32 $0x0;
	p2 =	slt.s32 s30, $0x1  }
.LBB2_21:
0xdb: {  	(v2sf) =	vpush v8, $0x0;
	_ =	sdelay $0xe  }
0xdc: {  	s8 =	spop (v2sf)  }
0xdd: {  	v8 =	vld [tilespmem:s8+$0x4C80];
	_ =	sdelay $0x4  }
0xde: {  	(v2sf) =	vpush v8, $0x0;
	_ =	sdelay $0xe  }
0xdf: {  	s9 =	spop (v2sf)  }
0xe0: {  	s9 =	ssub.s32 s9, s1  }
0xe1: {  	v8 =	vmov s9  }
0xe2: {  	v9 =	vshll.u32 v8, $0x3  }
0xe3: {  	s8 =	sshll.u32 s8, $0x6;
	v8 =	vand.u32 $0x7F, v8;
	v9 =	vand.u32 $0xFFFFFC00, v9  }
0xe4: {  	s8 =	sshra.s32 s8, $0x2;
	v8 =	vor.u32 v8, v9  }
0xe5: {  	v63 =	vld [tilespmem:s8+$0x5900];
	v8 =	vadd.s32 v5, v8;
	_ =	sdelay $0x4  }
0xe6: {  	[tilespmem:v8+s3+$0x0] =	vst.idx.add.f32.msk $0xffff, v63  }
.LBB2_22:
0xe7: {  	p3 =	seq.s32 s31, $0x0  }
0xe8: {  	s8 =	sadd.s32 @!p3 $0xFFFFFFFF, s31  }
0xe9: {  	s9 =	smulhi.u32 @!p3 $0xAAAAAAAB, s8;
	_ =	sdelay $0x1  }
0xea: {  	s9 =	sshrl.u32 @!p3 s9, $0x1  }
0xeb: {  	s0 =	sadd.s32 $0x4, s0;
	s1 =	sadd.s32 s1, s7;
	s9 =	smul.u32 @!p3 $0x3, s9  }
0xec: {  	[hbm4b:s1+s13] =	stream.strided.scatter [tilespmem:s3], [sflag:s0], $0x2000, s14, s13, $0x38;
	[tilespmem:$0x1E200] =	vst v63  }
0xed: {  	s0 =	ssub.s32 @!p3 s8, s9  }
0xee: {  	s0 =	sor.u32 @!p3 $0x4, s0  }
0xef: {  	p4 =	sgt.u32 @!p3 s31, $0x3A;
	_ =	swait.ge @!p3 [sflag:s0], $0x2000  }
0xf0: {  	p4 =	por p3, !p4;
	[sflag:s0] =	ssyncset.done @!p3 $0x0  }
0xf1: {  	[sflag:s0] =	ssyncadd.s32 @!p3 $0xFFFFE000;
	s0 =	sadd.s32 @p4 $0x2, s31  }
0xf2: {  	s1 =	smul.u32 @p4 $0xAB, s0;
	_ =	sdelay $0x1  }
0xf3: {  	s1 =	sshrl.u32 @p4 s1, $0x9  }
0xf4: {  	s1 =	sand.u32 @p4 $0x7F, s1  }
0xf5: {  	s1 =	smul.u32 @p4 $0x3, s1  }
0xf6: {  	p3 =	sne.s32 s2, $0x3D  }
.Ltmp11:
0xf7: {  	s1 =	ssub.s32 @p4 s0, s1;
	(pc) =	sbr.rel @!p3 .LBB2_23-.Ltmp11, $4  }
0xf8: {  	s1 =	sand.u32 @p4 $0xFF, s1  }
0xf9: {  	s31 =	smov.u32 s2;
	s0 =	sshll.u32 @p4 s0, $0x9;
	s3 =	sshll.u32 @p4 s1, $0xD  }
0xfa: {  	s0 =	sadd.s32 @p4 s0, s5;
	s1 =	sadd.s32 @p4 $0x1, s1;
	s3 =	sadd.s32 @p4 $0x17200, s3  }
0xfb: {  	[tilespmem:s3], [sflag:s1] =	stream.strided.gather @p4 [hbm4b:s0+s13], $0x2000, s14, s13, $0x38;
	[tilespmem:$0x1E200] =	vst v63  }
.LBB2_15:
0xfc: {  	s0 =	smul.u32 $0xAB, s31;
	_ =	sdelay $0x1  }
0xfd: {  	s0 =	sshrl.u32 s0, $0x9  }
0xfe: {  	s0 =	sand.u32 $0x7F, s0  }
0xff: {  	s0 =	smul.u32 $0x3, s0;
	_ =	sdelay $0x1  }
0x100: {  	s0 =	ssub.s32 s31, s0  }
.Ltmp12:
0x101: {  	s0 =	sand.u32 $0xFF, s0;
	(pc) =	sbr.rel @p2 .LBB2_22-.Ltmp12, $4  }
0x102: {  	s2 =	sadd.s32 $0x1, s0  }
0x103: {  	_ =	swait.ge [sflag:s2], $0x2000  }
0x104: {  	s1 =	sshll.u32 s31, $0x9;
	s3 =	sshll.u32 s0, $0xD;
	[sflag:s2] =	ssyncset.done $0x0  }
0x105: {  	s3 =	sadd.s32 $0x17200, s3;
	[sflag:s2] =	ssyncadd.s32 $0xFFFFE000;
	s2 =	sadd.s32 $0x1, s31  }
0x106: {  	p4 =	seq.s32 s30, $0x1  }
.Ltmp13:
0x107: {  	_ = 	snop;
	(pc) =	sbr.rel @p4 .LBB2_17-.Ltmp13, $3  }
0x108: {  	_ =	sdelay $0x1  }
0x109: {  	s8 =	sshll.u32 s2, $0x9;
	s16 =	simm.s32 $0x4C80  }
0x10a: {  	v8 =	vmov s1;
	s15 =	simm.s32 $0x0;
	p3 =	por $0x0, $0x0;
	v9 =	vmov s8;
	v10 =	vld [tilespmem:s16+$0x0];
	s8 =	sadd.s32 $0xFFFFFFFF, s30  }
0x10b: {  	_ =	sdelay $0x2  }
0x10c: {  	v11 =	vor.u32 s15, v3  }
0x10d: {  	vm2 =	vlt.s32 v11, v7;
	vm1 =	vlt.s32 v10, v9  }
0x10e: {  	vm3 =	vge.s32 v10, v8;
	vm1 =	vmand vm1, vm2  }
0x10f: {  	vm1 =	vmand vm1, vm3  }
0x110: {  	v10 =	vsel vm1, $0x1, v4  }
0x111: {  	(xrf0) =	vadd.scan.msk.s32 $0xffff, v10;
	_ =	sdelay $0x2  }
0x112: {  	v10 =	vmov s15  }
0x113: {  	v10 =	vadd.s32 $0xFFFFFFFF, v10  }
0x114: {  	v10 =	vbroadcast v10, $0x0  }
0x115: {  	v12, _, _ =	vpop (xrf0)  }
0x116: {  	v10 =	vadd.s32 v12, v10;
	(v2sf) =	vpush v12, $0xF  }
0x117: {  	p4 =	seq.s32 s8, $0x1  }
.Ltmp14:
0x118: {  	_ = 	snop;
	(pc) =	sbr.rel @p4 .LBB2_28-.Ltmp14, $3  }
0x119: {  	_ =	sdelay $0x1  }
0x11a: {  	s9 =	simm.s32 $0x4C90;
	s10 =	sadd.s32 $0xFFFFFFFF, s8;
	[tilespmem:v10+s23+$0x0] =	vst.idx.msk vm1, v11  }
0x11b: {  	p3 =	por $0x1, $0x1;
	s8 =	simm.s32 $0x0;
	s16 =	simm.s32 $0x0;
	v10 =	vld [tilespmem:s9+$0x0]  }
.LBB2_29:
0x11c: {  	p4 =	seq.s32 s10, $0x1;
	_ =	sdelay $0x1  }
0x11d: {  	s8 =	sadd.s32 $0x10, s8  }
0x11e: {  	v11 =	vor.u32 s8, v3  }
0x11f: {  	vm2 =	vlt.s32 v11, v7;
	vm1 =	vlt.s32 v10, v9  }
0x120: {  	vm3 =	vge.s32 v10, v8;
	vm1 =	vmand vm1, vm2  }
0x121: {  	vm1 =	vmand vm1, vm3  }
0x122: {  	v10 =	vsel vm1, $0x1, v4  }
0x123: {  	(xrf0) =	vadd.scan.msk.s32 $0xffff, v10;
	s11 =	spop (v2sf)  }
0x124: {  	s16 =	sadd.s32 s16, s11  }
0x125: {  	v10 =	vmov s16  }
0x126: {  	v10 =	vadd.s32 $0xFFFFFFFF, v10  }
0x127: {  	v10 =	vbroadcast v10, $0x0;
	_ =	sdelay $0x1  }
0x128: {  	v12, _, _ =	vpop (xrf0)  }
0x129: {  	v10 =	vadd.s32 v12, v10;
	(v2sf) =	vpush v12, $0xF;
	_ =	sdelay $0x1  }
.Ltmp15:
0x12a: {  	(pc) =	sbr.rel @!p4 .LBB2_29-.Ltmp15, $3  }
0x12b: {  	_ =	sdelay $0x1  }
0x12c: {  	s9 =	sadd.s32 $0x10, s9;
	[tilespmem:v10+s23+$0x0] =	vst.idx.msk vm1, v11  }
0x12d: {  	s10 =	sadd.s32 $0xFFFFFFFF, s10;
	v10 =	vld [tilespmem:s9+$0x0]  }
.LBB2_30:
0x12e: {  	_ = 	snop  }
0x12f: {  	s8 =	sadd.s32 @p3 $0x10, s8;
	s9 =	simm.s32 $0x0  }
0x130: {  	s9 =	smov.u32 @p3 s8  }
0x131: {  	v11 =	vor.u32 s9, v3  }
0x132: {  	vm2 =	vlt.s32 v11, v7;
	vm1 =	vlt.s32 v10, v9  }
0x133: {  	vm3 =	vge.s32 v10, v8;
	vm1 =	vmand vm1, vm2  }
0x134: {  	vm1 =	vmand vm1, vm3  }
0x135: {  	v8 =	vsel vm1, $0x1, v4  }
0x136: {  	(xrf0) =	vadd.scan.msk.s32 $0xffff, v8;
	_ =	sdelay $0x5  }
0x137: {  	v8, _, _ =	vpop (xrf0)  }
0x138: {  	(v2sf) =	vpush v8, $0xF;
	_ =	sdelay $0x3  }
0x139: {  	s8 =	spop @p3 (v2sf)  }
0x13a: {  	s8 =	sadd.s32 @p3 s16, s8  }
0x13b: {  	s15 =	smov.u32 @p3 s8  }
0x13c: {  	v63 =	vmov s15  }
0x13d: {  	v9 =	vadd.s32 $0xFFFFFFFF, v63  }
0x13e: {  	v9 =	vbroadcast v9, $0x0;
	_ =	sdelay $0x1  }
0x13f: {  	v8 =	vadd.s32 v8, v9;
	_ =	sdelay $0x3  }
0x140: {  	s16 =	spop (v2sf)  }
0x141: {  	[tilespmem:v8+s23+$0x0] =	vst.idx.msk vm1, v11;
	s8 =	sadd.s32 s15, s16  }
0x142: {  	p3 =	slt.s32 s8, $0x1  }
.Ltmp16:
0x143: {  	_ = 	snop;
	(pc) =	sbr.rel @p3 .LBB2_22-.Ltmp16, $1  }
0x144: {  	_ =	sdelay $0x3  }
0x145: {  	s15 =	simm.s32 $0x11900;
	p3 =	sne.s32 s8, $0x1  }
.Ltmp17:
0x146: {  	v8 =	vld [tilespmem:s15+$0x0];
	(pc) =	sbr.rel @!p3 .LBB2_21-.Ltmp17, $2  }
0x147: {  	_ =	sdelay $0x2  }
0x148: {  	s16 =	sadd.s32 $0xFFFFFFFF, s8  }
.LBB2_20:
0x149: {  	p3 =	sne.s32 s16, $0x1;
	_ =	sdelay $0x3  }
0x14a: {  	(v2sf) =	vpush v8, $0x0;
	_ =	sdelay $0xe  }
0x14b: {  	s8 =	spop (v2sf)  }
0x14c: {  	v8 =	vld [tilespmem:s8+$0x4C80];
	_ =	sdelay $0x4  }
0x14d: {  	(v2sf) =	vpush v8, $0x0;
	_ =	sdelay $0xe  }
0x14e: {  	s9 =	spop (v2sf)  }
0x14f: {  	s9 =	ssub.s32 s9, s1  }
0x150: {  	v8 =	vmov s9  }
0x151: {  	v9 =	vshll.u32 v8, $0x3  }
0x152: {  	s8 =	sshll.u32 s8, $0x6;
	v8 =	vand.u32 $0x7F, v8;
	v9 =	vand.u32 $0xFFFFFC00, v9  }
0x153: {  	s8 =	sshra.s32 s8, $0x2;
	v8 =	vor.u32 v8, v9  }
0x154: {  	v9 =	vld [tilespmem:s8+$0x5900];
	v8 =	vadd.s32 v5, v8;
	_ =	sdelay $0x1  }
.Ltmp18:
0x155: {  	(pc) =	sbr.rel @p3 .LBB2_20-.Ltmp18, $3  }
0x156: {  	_ =	sdelay $0x1  }
0x157: {  	s15 =	sadd.s32 $0x1, s15;
	[tilespmem:v8+s3+$0x0] =	vst.idx.add.f32.msk $0xffff, v9  }
0x158: {  	s16 =	sadd.s32 $0xFFFFFFFF, s16;
	v8 =	vld [tilespmem:s15+$0x0]  }
.Ltmp19:
0x159: {  	_ = 	snop;
	(pc) =	sbr.rel .LBB2_21-.Ltmp19, $1  }
0x15a: {  	_ =	sdelay $0x3  }
.LBB2_17:
.Ltmp20:
0x15b: {  	(pc) =	sbr.rel .LBB2_30-.Ltmp20, $2  }
0x15c: {  	_ =	sdelay $0x2  }
0x15d: {  	s8 =	simm.s32 $0x0;
	s16 =	simm.s32 $0x0  }
.LBB2_28:
.Ltmp21:
0x15e: {  	(pc) =	sbr.rel .LBB2_30-.Ltmp21, $2  }
0x15f: {  	_ =	sdelay $0x2  }
0x160: {  	s8 =	simm.s32 $0x0;
	s16 =	simm.s32 $0x0  }
.LBB2_23:
.Ltmp22:
0x161: {  	(pc) =	sbr.rel @p0 .LBB2_36-.Ltmp22, $4  }
0x162: {  	_ = 	snop  }
0x163: {  	_ =	swait.ge [sflag:s24], $0x2000  }
0x164: {  	[sflag:s24] =	ssyncset.done $0x0  }
0x165: {  	[sflag:s24] =	ssyncadd.s32 $0xFFFFE000  }
0x166: {  	p2 =	sgt.s32 s30, $0x0  }
.Ltmp23:
0x167: {  	s0 =	rddreg [dreg:$0x5];
	(pc) =	sbr.rel @!p2 .LBB2_35-.Ltmp23, $4  }
0x168: {  	[tilespmem:s26], [sflag:$0x8] =	stream.strided.gather [hbm4b:s0+s25], $0x800, s14, s25, $0x38;
	[tilespmem:$0x1E200] =	vst v63  }
0x169: {  	_ =	swait.ge [sflag:s17], $0x800  }
0x16a: {  	[sflag:s17] =	ssyncset.done $0x0  }
0x16b: {  	[sflag:s17] =	ssyncadd.s32 $0xFFFFF800  }
0x16c: {  	p3 =	seq.s32 s30, $0x1  }
.Ltmp24:
0x16d: {  	_ = 	snop;
	(pc) =	sbr.rel @p3 .LBB2_26-.Ltmp24, $3  }
0x16e: {  	_ =	sdelay $0x1  }
0x16f: {  	s1 =	simm.s32 $0x4C80  }
0x170: {  	s0 =	simm.s32 $0x0;
	p2 =	por $0x0, $0x0;
	v8 =	vld [tilespmem:s1+$0x0];
	s1 =	sadd.s32 $0xFFFFFFFF, s30  }
0x171: {  	_ =	sdelay $0x3  }
0x172: {  	v9 =	vor.u32 s0, v3;
	v8 =	vand.u32 $0xFFFFFF80, v8  }
0x173: {  	vm2 =	vlt.s32 v9, v7;
	vm1 =	veq.s32 v8, $0x7A00  }
0x174: {  	vm1 =	vmand vm2, vm1  }
0x175: {  	v8 =	vsel vm1, $0x1, v4  }
0x176: {  	(xrf0) =	vadd.scan.msk.s32 $0xffff, v8;
	_ =	sdelay $0x2  }
0x177: {  	v8 =	vmov s0  }
0x178: {  	v8 =	vadd.s32 $0xFFFFFFFF, v8  }
0x179: {  	v8 =	vbroadcast v8, $0x0  }
0x17a: {  	v10, _, _ =	vpop (xrf0)  }
0x17b: {  	v8 =	vadd.s32 v10, v8;
	(v2sf) =	vpush v10, $0xF  }
0x17c: {  	p3 =	seq.s32 s1, $0x1  }
.Ltmp25:
0x17d: {  	_ = 	snop;
	(pc) =	sbr.rel @p3 .LBB2_41-.Ltmp25, $3  }
0x17e: {  	_ =	sdelay $0x1  }
0x17f: {  	s3 =	simm.s32 $0x4C90;
	s8 =	sadd.s32 $0xFFFFFFFF, s1;
	[tilespmem:v8+s23+$0x0] =	vst.idx.msk vm1, v9  }
0x180: {  	p2 =	por $0x1, $0x1;
	s2 =	simm.s32 $0x0;
	s1 =	simm.s32 $0x0;
	v8 =	vld [tilespmem:s3+$0x0]  }
.LBB2_42:
0x181: {  	p3 =	seq.s32 s8, $0x1;
	_ =	sdelay $0x2  }
0x182: {  	s2 =	sadd.s32 $0x10, s2  }
0x183: {  	v9 =	vor.u32 s2, v3;
	v8 =	vand.u32 $0xFFFFFF80, v8  }
0x184: {  	vm2 =	vlt.s32 v9, v7;
	vm1 =	veq.s32 v8, $0x7A00  }
0x185: {  	vm1 =	vmand vm2, vm1  }
0x186: {  	v8 =	vsel vm1, $0x1, v4  }
0x187: {  	(xrf0) =	vadd.scan.msk.s32 $0xffff, v8;
	s9 =	spop (v2sf)  }
0x188: {  	s1 =	sadd.s32 s1, s9  }
0x189: {  	v8 =	vmov s1  }
0x18a: {  	v8 =	vadd.s32 $0xFFFFFFFF, v8  }
0x18b: {  	v8 =	vbroadcast v8, $0x0;
	_ =	sdelay $0x1  }
0x18c: {  	v10, _, _ =	vpop (xrf0)  }
0x18d: {  	v8 =	vadd.s32 v10, v8;
	(v2sf) =	vpush v10, $0xF;
	_ =	sdelay $0x1  }
.Ltmp26:
0x18e: {  	(pc) =	sbr.rel @!p3 .LBB2_42-.Ltmp26, $3  }
0x18f: {  	_ =	sdelay $0x1  }
0x190: {  	s3 =	sadd.s32 $0x10, s3;
	[tilespmem:v8+s23+$0x0] =	vst.idx.msk vm1, v9  }
0x191: {  	s8 =	sadd.s32 $0xFFFFFFFF, s8;
	v8 =	vld [tilespmem:s3+$0x0]  }
.LBB2_43:
0x192: {  	_ =	sdelay $0x1  }
0x193: {  	s2 =	sadd.s32 @p2 $0x10, s2;
	s3 =	simm.s32 $0x0  }
0x194: {  	s3 =	smov.u32 @p2 s2  }
0x195: {  	v9 =	vor.u32 s3, v3;
	v8 =	vand.u32 $0xFFFFFF80, v8  }
0x196: {  	vm2 =	vlt.s32 v9, v7;
	vm1 =	veq.s32 v8, $0x7A00  }
0x197: {  	vm1 =	vmand vm2, vm1  }
0x198: {  	v8 =	vsel vm1, $0x1, v4  }
0x199: {  	(xrf0) =	vadd.scan.msk.s32 $0xffff, v8;
	_ =	sdelay $0x5  }
0x19a: {  	v8, _, _ =	vpop (xrf0)  }
0x19b: {  	(v2sf) =	vpush v8, $0xF;
	_ =	sdelay $0x3  }
0x19c: {  	s2 =	spop @p2 (v2sf)  }
0x19d: {  	s1 =	sadd.s32 @p2 s1, s2  }
0x19e: {  	s0 =	smov.u32 @p2 s1  }
0x19f: {  	v10 =	vmov s0  }
0x1a0: {  	v10 =	vadd.s32 $0xFFFFFFFF, v10  }
0x1a1: {  	v10 =	vbroadcast v10, $0x0;
	_ =	sdelay $0x1  }
0x1a2: {  	v8 =	vadd.s32 v8, v10;
	_ =	sdelay $0x3  }
0x1a3: {  	s31 =	spop (v2sf)  }
0x1a4: {  	[tilespmem:v8+s23+$0x0] =	vst.idx.msk vm1, v9;
	s1 =	sadd.s32 s0, s31  }
0x1a5: {  	p2 =	slt.s32 s1, $0x1  }
.Ltmp27:
0x1a6: {  	_ = 	snop;
	(pc) =	sbr.rel @p2 .LBB2_35-.Ltmp27, $1  }
0x1a7: {  	_ =	sdelay $0x3  }
0x1a8: {  	p2 =	sne.s32 s1, $0x1  }
.Ltmp28:
0x1a9: {  	_ = 	snop;
	(pc) =	sbr.rel @!p2 .LBB2_34-.Ltmp28, $3  }
0x1aa: {  	_ =	sdelay $0x1  }
0x1ab: {  	s0 =	simm.s32 $0x11900  }
0x1ac: {  	s1 =	sadd.s32 $0xFFFFFFFF, s1;
	v8 =	vld [tilespmem:s0+$0x0]  }
.LBB2_33:
0x1ad: {  	p2 =	sne.s32 s1, $0x1;
	_ =	sdelay $0x3  }
0x1ae: {  	(v2sf) =	vpush v8, $0x0;
	_ =	sdelay $0xe  }
0x1af: {  	s2 =	spop (v2sf)  }
0x1b0: {  	v8 =	vld [tilespmem:s2+$0x4C80];
	_ =	sdelay $0x4  }
0x1b1: {  	(v2sf) =	vpush v8, $0x0;
	_ =	sdelay $0xe  }
0x1b2: {  	s2 =	sshll.u32 s2, $0x6;
	s3 =	spop (v2sf)  }
0x1b3: {  	s2 =	sshra.s32 s2, $0x2;
	s3 =	sadd.s32 $0xFFFF8600, s3  }
0x1b4: {  	v8 =	vld [tilespmem:s2+$0x5900];
	v9 =	vadd.s32 s3, v6;
	_ =	sdelay $0x1  }
.Ltmp29:
0x1b5: {  	(pc) =	sbr.rel @p2 .LBB2_33-.Ltmp29, $3  }
0x1b6: {  	_ =	sdelay $0x1  }
0x1b7: {  	s0 =	sadd.s32 $0x1, s0;
	[tilespmem:v9+s26+$0x0] =	vst.idx.add.f32.msk $0xffff, v8  }
0x1b8: {  	s1 =	sadd.s32 $0xFFFFFFFF, s1;
	v8 =	vld [tilespmem:s0+$0x0]  }
.LBB2_34:
0x1b9: {  	_ =	sdelay $0x3  }
0x1ba: {  	(v2sf) =	vpush v8, $0x0;
	_ =	sdelay $0xe  }
0x1bb: {  	s0 =	spop (v2sf)  }
0x1bc: {  	v8 =	vld [tilespmem:s0+$0x4C80];
	_ =	sdelay $0x4  }
0x1bd: {  	(v2sf) =	vpush v8, $0x0;
	_ =	sdelay $0xe  }
0x1be: {  	s0 =	sshll.u32 s0, $0x6;
	s1 =	spop (v2sf)  }
0x1bf: {  	s0 =	sshra.s32 s0, $0x2;
	s1 =	sadd.s32 $0xFFFF8600, s1  }
0x1c0: {  	v8 =	vld [tilespmem:s0+$0x5900];
	v9 =	vadd.s32 s1, v6;
	_ =	sdelay $0x4  }
0x1c1: {  	[tilespmem:v9+s26+$0x0] =	vst.idx.add.f32.msk $0xffff, v8  }
.LBB2_35:
0x1c2: {  	s0 =	rddreg [dreg:$0x6]  }
0x1c3: {  	[hbm4b:s0+s25] =	stream.strided.scatter [tilespmem:s26], [sflag:$0x8], $0x800, s14, s25, $0x38;
	[tilespmem:$0x1E200] =	vst v63  }
0x1c4: {  	_ =	swait.ge [sflag:s17], $0x800  }
0x1c5: {  	[sflag:s17] =	ssyncset.done $0x0  }
0x1c6: {  	[sflag:s17] =	ssyncadd.s32 $0xFFFFF800  }
.LBB2_36:
.Ltmp30:
0x1c7: {  	(pc) =	sbr.rel @p1 .LBB2_49-.Ltmp30, $1  }
0x1c8: {  	_ =	sdelay $0x3  }
0x1c9: {  	p2 =	sgt.s32 s30, $0x0  }
.Ltmp31:
0x1ca: {  	s0 =	rddreg [dreg:$0x7];
	(pc) =	sbr.rel @!p2 .LBB2_48-.Ltmp31, $4  }
0x1cb: {  	[tilespmem:s28], [sflag:$0x8] =	stream.strided.gather [hbm4b:s0+s25], $0x800, s14, s25, $0x38;
	[tilespmem:$0x1E200] =	vst v63  }
0x1cc: {  	_ =	swait.ge [sflag:s17], $0x800  }
0x1cd: {  	[sflag:s17] =	ssyncset.done $0x0  }
0x1ce: {  	[sflag:s17] =	ssyncadd.s32 $0xFFFFF800  }
0x1cf: {  	p3 =	seq.s32 s30, $0x1  }
.Ltmp32:
0x1d0: {  	_ = 	snop;
	(pc) =	sbr.rel @p3 .LBB2_39-.Ltmp32, $3  }
0x1d1: {  	_ =	sdelay $0x1  }
0x1d2: {  	s1 =	simm.s32 $0x4C80  }
0x1d3: {  	s0 =	simm.s32 $0x0;
	p2 =	por $0x0, $0x0;
	v8 =	vld [tilespmem:s1+$0x0];
	s1 =	sadd.s32 $0xFFFFFFFF, s30  }
0x1d4: {  	_ =	sdelay $0x3  }
0x1d5: {  	v9 =	vor.u32 s0, v3;
	v8 =	vand.u32 $0xFFFFFFC0, v8  }
0x1d6: {  	vm2 =	vlt.s32 v9, v7;
	vm1 =	veq.s32 v8, $0x7A00  }
0x1d7: {  	vm1 =	vmand vm2, vm1  }
0x1d8: {  	v8 =	vsel vm1, $0x1, v4  }
0x1d9: {  	(xrf0) =	vadd.scan.msk.s32 $0xffff, v8;
	_ =	sdelay $0x2  }
0x1da: {  	v8 =	vmov s0  }
0x1db: {  	v8 =	vadd.s32 $0xFFFFFFFF, v8  }
0x1dc: {  	v8 =	vbroadcast v8, $0x0  }
0x1dd: {  	v10, _, _ =	vpop (xrf0)  }
0x1de: {  	v8 =	vadd.s32 v10, v8;
	(v2sf) =	vpush v10, $0xF  }
0x1df: {  	p3 =	seq.s32 s1, $0x1  }
.Ltmp33:
0x1e0: {  	_ = 	snop;
	(pc) =	sbr.rel @p3 .LBB2_52-.Ltmp33, $3  }
0x1e1: {  	_ =	sdelay $0x1  }
0x1e2: {  	s3 =	simm.s32 $0x4C90;
	s8 =	sadd.s32 $0xFFFFFFFF, s1;
	[tilespmem:v8+s23+$0x0] =	vst.idx.msk vm1, v9  }
0x1e3: {  	p2 =	por $0x1, $0x1;
	s2 =	simm.s32 $0x0;
	s1 =	simm.s32 $0x0;
	v8 =	vld [tilespmem:s3+$0x0]  }
.LBB2_53:
0x1e4: {  	p3 =	seq.s32 s8, $0x1;
	_ =	sdelay $0x2  }
0x1e5: {  	s2 =	sadd.s32 $0x10, s2  }
0x1e6: {  	v9 =	vor.u32 s2, v3;
	v8 =	vand.u32 $0xFFFFFFC0, v8  }
0x1e7: {  	vm2 =	vlt.s32 v9, v7;
	vm1 =	veq.s32 v8, $0x7A00  }
0x1e8: {  	vm1 =	vmand vm2, vm1  }
0x1e9: {  	v8 =	vsel vm1, $0x1, v4  }
0x1ea: {  	(xrf0) =	vadd.scan.msk.s32 $0xffff, v8;
	s9 =	spop (v2sf)  }
0x1eb: {  	s1 =	sadd.s32 s1, s9  }
0x1ec: {  	v8 =	vmov s1  }
0x1ed: {  	v8 =	vadd.s32 $0xFFFFFFFF, v8  }
0x1ee: {  	v8 =	vbroadcast v8, $0x0;
	_ =	sdelay $0x1  }
0x1ef: {  	v10, _, _ =	vpop (xrf0)  }
0x1f0: {  	v8 =	vadd.s32 v10, v8;
	(v2sf) =	vpush v10, $0xF;
	_ =	sdelay $0x1  }
.Ltmp34:
0x1f1: {  	(pc) =	sbr.rel @!p3 .LBB2_53-.Ltmp34, $3  }
0x1f2: {  	_ =	sdelay $0x1  }
0x1f3: {  	s3 =	sadd.s32 $0x10, s3;
	[tilespmem:v8+s23+$0x0] =	vst.idx.msk vm1, v9  }
0x1f4: {  	s8 =	sadd.s32 $0xFFFFFFFF, s8;
	v8 =	vld [tilespmem:s3+$0x0]  }
.LBB2_54:
0x1f5: {  	_ =	sdelay $0x1  }
0x1f6: {  	s2 =	sadd.s32 @p2 $0x10, s2;
	s3 =	simm.s32 $0x0  }
0x1f7: {  	s3 =	smov.u32 @p2 s2  }
0x1f8: {  	v9 =	vor.u32 s3, v3;
	v8 =	vand.u32 $0xFFFFFFC0, v8  }
0x1f9: {  	vm2 =	vlt.s32 v9, v7;
	vm1 =	veq.s32 v8, $0x7A00  }
0x1fa: {  	vm1 =	vmand vm2, vm1  }
0x1fb: {  	v7 =	vsel vm1, $0x1, v4  }
0x1fc: {  	(xrf0) =	vadd.scan.msk.s32 $0xffff, v7;
	_ =	sdelay $0x5  }
0x1fd: {  	v7, _, _ =	vpop (xrf0)  }
0x1fe: {  	(v2sf) =	vpush v7, $0xF;
	_ =	sdelay $0x3  }
0x1ff: {  	s2 =	spop @p2 (v2sf)  }
0x200: {  	s1 =	sadd.s32 @p2 s1, s2  }
0x201: {  	s0 =	smov.u32 @p2 s1  }
0x202: {  	v8 =	vmov s0  }
0x203: {  	v8 =	vadd.s32 $0xFFFFFFFF, v8  }
0x204: {  	v8 =	vbroadcast v8, $0x0;
	_ =	sdelay $0x1  }
0x205: {  	v7 =	vadd.s32 v7, v8;
	_ =	sdelay $0x3  }
0x206: {  	s31 =	spop (v2sf)  }
0x207: {  	[tilespmem:v7+s23+$0x0] =	vst.idx.msk vm1, v9;
	s1 =	sadd.s32 s0, s31  }
0x208: {  	p2 =	slt.s32 s1, $0x1  }
.Ltmp35:
0x209: {  	_ = 	snop;
	(pc) =	sbr.rel @p2 .LBB2_48-.Ltmp35, $1  }
0x20a: {  	_ =	sdelay $0x3  }
0x20b: {  	s0 =	simm.s32 $0x11900;
	p2 =	sne.s32 s1, $0x1  }
.Ltmp36:
0x20c: {  	v7 =	vld [tilespmem:s0+$0x0];
	(pc) =	sbr.rel @!p2 .LBB2_47-.Ltmp36, $2  }
0x20d: {  	_ =	sdelay $0x2  }
0x20e: {  	s1 =	sadd.s32 $0xFFFFFFFF, s1  }
.LBB2_46:
0x20f: {  	p2 =	sne.s32 s1, $0x1;
	_ =	sdelay $0x3  }
0x210: {  	(v2sf) =	vpush v7, $0x0;
	_ =	sdelay $0xe  }
0x211: {  	s2 =	spop (v2sf)  }
0x212: {  	v7 =	vld [tilespmem:s2+$0x4C80];
	_ =	sdelay $0x4  }
0x213: {  	(v2sf) =	vpush v7, $0x0;
	_ =	sdelay $0xe  }
0x214: {  	s2 =	sshll.u32 s2, $0x6;
	s3 =	spop (v2sf)  }
0x215: {  	s2 =	sshra.s32 s2, $0x2;
	s3 =	sadd.s32 $0xFFFF8600, s3  }
0x216: {  	v7 =	vld [tilespmem:s2+$0x5900];
	v8 =	vadd.s32 s3, v6;
	_ =	sdelay $0x1  }
.Ltmp37:
0x217: {  	(pc) =	sbr.rel @p2 .LBB2_46-.Ltmp37, $3  }
0x218: {  	_ =	sdelay $0x1  }
0x219: {  	s0 =	sadd.s32 $0x1, s0;
	[tilespmem:v8+s28+$0x0] =	vst.idx.add.f32.msk $0xffff, v7  }
0x21a: {  	s1 =	sadd.s32 $0xFFFFFFFF, s1;
	v7 =	vld [tilespmem:s0+$0x0]  }
.Ltmp38:
0x21b: {  	_ = 	snop;
	(pc) =	sbr.rel .LBB2_47-.Ltmp38, $1  }
0x21c: {  	_ =	sdelay $0x3  }
.LBB2_26:
.Ltmp39:
0x21d: {  	(pc) =	sbr.rel .LBB2_43-.Ltmp39, $2  }
0x21e: {  	_ =	sdelay $0x2  }
0x21f: {  	s2 =	simm.s32 $0x0;
	s1 =	simm.s32 $0x0  }
.LBB2_39:
.Ltmp40:
0x220: {  	(pc) =	sbr.rel .LBB2_54-.Ltmp40, $2  }
0x221: {  	_ =	sdelay $0x2  }
0x222: {  	s2 =	simm.s32 $0x0;
	s1 =	simm.s32 $0x0  }
.LBB2_41:
.Ltmp41:
0x223: {  	(pc) =	sbr.rel .LBB2_43-.Ltmp41, $2  }
0x224: {  	_ =	sdelay $0x2  }
0x225: {  	s2 =	simm.s32 $0x0;
	s1 =	simm.s32 $0x0  }
.LBB2_52:
.Ltmp42:
0x226: {  	(pc) =	sbr.rel .LBB2_54-.Ltmp42, $2  }
0x227: {  	_ =	sdelay $0x2  }
0x228: {  	s2 =	simm.s32 $0x0;
	s1 =	simm.s32 $0x0  }
.LBB2_50:
0x229: {  	_ =	sfence.sel $0x180000  }
0x22a: {  	[bflag:$0x0] =	sbarrier.arrive $0xFFFF  }
0x22b: {  	_ =	strace $0x90000047  }
0x22c: {  	s0 =	stileid.u32;
	[bflag:$0x2] =	sbarrier.arrive $0xFFFF  }
0x22d: {  	p0 =	sne.s32 s0, $0x0;
	s0 =	rddreg [dreg:$0x4]  }
0x22e: {  	s0 =	sadd.s32 @!p0 $0x100000, s0  }
0x22f: {  	[sflag:s0] =	ssyncadd.tile.s32 @!p0 $0x1;
	_ =	shalt  }
.Lfunc_end2:
_tile_overlayer_lowered:
.L_overlay_start_2:
0x230: {  	(tag) =	ssettag $0x2  }
0x231: {  	s0 =	rddreg [dreg:$0x0];
	s2 =	stileid.u32  }
0x232: {  	s1 =	rddreg [dreg:$0x1];
	p0 =	sne.s32 s2, $0x0  }
0x233: {  	s3 =	rddreg [dreg:$0x2];
	[bflag:$0x3] =	sbarrier.arrive $0xFFFF;
	s2 =	simm.s32 @!p0 $0x1C08  }
0x234: {  	[timem:s3], [sflag:s2] =	dma.local @!p0 [hbm:s0], s1  }
0x235: {  	s0 =	simm.s32 @!p0 $0x8  }
0x236: {  	_ =	swait.ge @!p0 [sflag:s0], s1  }
0x237: {  	s1 =	ssub.s32 @!p0 $0x0, s1;
	[sflag:s0] =	ssyncset.done @!p0 $0x0  }
0x238: {  	[sflag:s0] =	ssyncadd.s32 @!p0 s1  }
0x239: {  	[bflag:$0x3] =	sbarrier.arrive $0xFFFF  }
0x23a: {  	_ =	shalt  }

</sc_bundles>
